<compile_context>
chip_gen: v7x
topology: tpu7x:2x2x1
jax: 0.10.2.dev20260603
libtpu: 0.0.44.dev20260713+nightly
codegen_flags: <defaults>
</compile_context>

<pallas_src>
import functools

import jax
import jax.numpy as jnp
from jax import lax
from jax.experimental import pallas as pl
from jax.experimental.pallas import tpu as pltpu
from jax.experimental.pallas import tpu_sc as plsc

B, T, D = 2, 2048, 2048
R = 128
E = 8
K = 2
WID = 256

N_TOK = B * T
M_TILE = 512
N_TILES = N_TOK // M_TILE

BLK = 256
NB = N_TOK * K // BLK + E
NPAD = NB * BLK
NBP = 48

NW = 32
TOK_W = N_TOK // NW


def _stage_a(h_ref, v_ref, wr_ref, z_ref, probs_ref, rank_ref, oh0_ref,
             oh1_ref, wv0_ref, wv1_ref, blend_ref, counts_ref, base_ref,
             tri_ref):
    i = pl.program_id(0)

    @pl.when(i == 0)
    def _init():
        base_ref[...] = jnp.zeros_like(base_ref)
        row = jax.lax.broadcasted_iota(jnp.int32, (M_TILE, M_TILE), 0)
        col = jax.lax.broadcasted_iota(jnp.int32, (M_TILE, M_TILE), 1)
        tri_ref[...] = jnp.where(col < row, 1.0, 0.0).astype(jnp.bfloat16)

    hb = h_ref[...].astype(jnp.bfloat16)
    zf32 = jax.lax.dot_general(hb, v_ref[...], (((1,), (0,)), ((), ())),
                               preferred_element_type=jnp.float32)
    z_ref[...] = zf32

    logits = jax.lax.dot_general(zf32, wr_ref[...], (((1,), (1,)), ((), ())),
                                 preferred_element_type=jnp.float32)
    m = jnp.max(logits, axis=-1, keepdims=True)
    ex = jnp.exp(logits - m)
    probs = ex / jnp.sum(ex, axis=-1, keepdims=True)
    probs_ref[...] = probs

    iota = jax.lax.broadcasted_iota(jnp.int32, probs.shape, 1)
    sels = []
    pm = probs
    for _ in range(K):
        mk = jnp.max(pm, axis=-1, keepdims=True)
        eq = pm == mk
        fidx = jnp.min(jnp.where(eq, iota, E), axis=-1, keepdims=True)
        sel = iota == fidx
        sels.append(sel)
        pm = jnp.where(sel, -jnp.inf, pm)
    oh0 = sels[0].astype(jnp.float32)
    oh1 = sels[1].astype(jnp.float32)
    oh0_ref[...] = oh0
    oh1_ref[...] = oh1
    wv0 = jnp.sum(oh0 * probs, axis=-1, keepdims=True)
    wv1 = jnp.sum(oh1 * probs, axis=-1, keepdims=True)
    wv0_ref[...] = wv0
    wv1_ref[...] = wv1
    blend_ref[...] = jnp.minimum(wv0 + wv1, 0.9)

    mask = oh0 + oh1
    rank_local = jax.lax.dot_general(
        tri_ref[...], mask.astype(jnp.bfloat16), (((1,), (0,)), ((), ())),
        preferred_element_type=jnp.float32)
    rank_ref[...] = rank_local + base_ref[...]
    totals = base_ref[...] + jnp.sum(mask, axis=0, keepdims=True)
    base_ref[...] = totals
    counts_ref[...] = totals


def _stage_a2(counts_ref, rank_ref, oh0_ref, oh1_ref, pos0_ref, pos1_ref,
              bexp_ref):
    ci = counts_ref[...].astype(jnp.int32)
    pc = jax.lax.shift_left(
        jax.lax.shift_right_logical(ci + (BLK - 1), 8), 8)
    pcf = pc.astype(jnp.float32)
    r8 = jax.lax.broadcasted_iota(jnp.int32, (E, E), 0)
    c8 = jax.lax.broadcasted_iota(jnp.int32, (E, E), 1)
    slt = jnp.where(r8 < c8, 1.0, 0.0)
    poffs = jax.lax.dot_general(pcf, slt, (((1,), (0,)), ((), ())),
                                preferred_element_type=jnp.float32)

    slot = rank_ref[...] + poffs
    pos0_ref[...] = jnp.sum(oh0_ref[...] * slot, axis=-1,
                            keepdims=True).astype(jnp.int32)
    pos1_ref[...] = jnp.sum(oh1_ref[...] * slot, axis=-1,
                            keepdims=True).astype(jnp.int32)

    bstart = jax.lax.broadcasted_iota(jnp.int32, (NBP, E), 0) * BLK
    ge = (bstart >= poffs.astype(jnp.int32)).astype(jnp.int32)
    bexp_ref[...] = jnp.clip(jnp.sum(ge, axis=-1, keepdims=True) - 1, 0,
                             E - 1)


def _sc_dispatch(pos0_hbm, pos1_hbm, z_hbm, gz_hbm, p0_v, p1_v, z_v, sem0,
                 sem1):
    wid = lax.axis_index("s") * 2 + lax.axis_index("c")
    base = wid * TOK_W
    pltpu.sync_copy(pos0_hbm.at[pl.ds(base, TOK_W)], p0_v)
    pltpu.sync_copy(pos1_hbm.at[pl.ds(base, TOK_W)], p1_v)
    pltpu.sync_copy(z_hbm.at[pl.ds(base, TOK_W)], z_v)
    cp0 = pltpu.async_copy(z_v, gz_hbm.at[p0_v], sem0)
    cp1 = pltpu.async_copy(z_v, gz_hbm.at[p1_v], sem1)
    cp0.wait()
    cp1.wait()


def _stage_c(bexp_ref, gz_ref, w1_ref, w2_ref, ys_ref):
    del bexp_ref
    g = gz_ref[...].astype(jnp.bfloat16)
    pre = jax.lax.dot_general(g, w1_ref[0], (((1,), (1,)), ((), ())),
                              preferred_element_type=jnp.float32)
    h1 = pre * jax.nn.sigmoid(pre)
    ys_ref[...] = jax.lax.dot_general(h1.astype(jnp.bfloat16), w2_ref[0],
                                      (((1,), (1,)), ((), ())),
                                      preferred_element_type=jnp.float32)


def _sc_gather(pos0_hbm, pos1_hbm, ys_hbm, ya_hbm, yb_hbm, p0_v, p1_v,
               ya_v, yb_v, sem0, sem1):
    wid = lax.axis_index("s") * 2 + lax.axis_index("c")
    base = wid * TOK_W
    pltpu.sync_copy(pos0_hbm.at[pl.ds(base, TOK_W)], p0_v)
    pltpu.sync_copy(pos1_hbm.at[pl.ds(base, TOK_W)], p1_v)
    cp0 = pltpu.async_copy(ys_hbm.at[p0_v], ya_v, sem0)
    cp1 = pltpu.async_copy(ys_hbm.at[p1_v], yb_v, sem1)
    cp0.wait()
    cp1.wait()
    pltpu.sync_copy(ya_v, ya_hbm.at[pl.ds(base, TOK_W)])
    pltpu.sync_copy(yb_v, yb_hbm.at[pl.ds(base, TOK_W)])


def _stage_e(z_ref, ya_ref, yb_ref, wv0_ref, wv1_ref, blend_ref, ut_ref,
             wh_ref, bh_ref, hnew_ref, phalt_ref, zfinal_ref):
    z = z_ref[...]
    z_new = wv0_ref[...] * ya_ref[...] + wv1_ref[...] * yb_ref[...]
    blend = blend_ref[...]
    z_final = z_new * blend + z * (1.0 - blend)
    zfinal_ref[...] = z_final

    h_new = jax.lax.dot_general(z_final.astype(jnp.bfloat16), ut_ref[...],
                                (((1,), (0,)), ((), ())),
                                preferred_element_type=jnp.float32)
    hnew_ref[...] = h_new

    gv = jnp.sum(ut_ref[...].astype(jnp.float32) * wh_ref[...], axis=1,
                 keepdims=True)
    ph = jax.lax.dot_general(z_final, gv, (((1,), (0,)), ((), ())),
                             preferred_element_type=jnp.float32)
    phalt_ref[...] = jax.nn.sigmoid(ph + bh_ref[0, 0])


def _run_dispatch(p0f, p1f, z):
    mesh = plsc.VectorSubcoreMesh(core_axis_name="c", subcore_axis_name="s",
                                  num_cores=2, num_subcores=16)
    return pl.kernel(
        _sc_dispatch,
        out_type=jax.ShapeDtypeStruct((NPAD, R), jnp.float32),
        mesh=mesh,
        scratch_types=[
            pltpu.VMEM((TOK_W,), jnp.int32),
            pltpu.VMEM((TOK_W,), jnp.int32),
            pltpu.VMEM((TOK_W, R), jnp.float32),
            pltpu.SemaphoreType.DMA,
            pltpu.SemaphoreType.DMA,
        ],
    )(p0f, p1f, z)


def _run_gather(p0f, p1f, ys):
    mesh = plsc.VectorSubcoreMesh(core_axis_name="c", subcore_axis_name="s",
                                  num_cores=2, num_subcores=16)
    return pl.kernel(
        _sc_gather,
        out_type=(jax.ShapeDtypeStruct((N_TOK, R), jnp.float32),
                  jax.ShapeDtypeStruct((N_TOK, R), jnp.float32)),
        mesh=mesh,
        scratch_types=[
            pltpu.VMEM((TOK_W,), jnp.int32),
            pltpu.VMEM((TOK_W,), jnp.int32),
            pltpu.VMEM((TOK_W, R), jnp.float32),
            pltpu.VMEM((TOK_W, R), jnp.float32),
            pltpu.SemaphoreType.DMA,
            pltpu.SemaphoreType.DMA,
        ],
    )(p0f, p1f, ys)


@jax.jit
def kernel(h, U, V, Wr, W1, b1, W2, b2, Wh, bh):
    hf = h.reshape(N_TOK, D)
    vb = V.astype(jnp.bfloat16)
    utb = U.T.astype(jnp.bfloat16)
    w1b = W1.astype(jnp.bfloat16)
    w2b = W2.astype(jnp.bfloat16)
    bh2 = bh.reshape(1, 1)

    row = lambda width: pl.BlockSpec((M_TILE, width), lambda i: (i, 0))
    full = lambda *shape: pl.BlockSpec(shape, lambda i: (0,) * len(shape))
    f32 = jnp.float32

    (z, probs, rank, oh0, oh1, wv0, wv1, blend, counts) = pl.pallas_call(
        _stage_a,
        grid=(N_TILES,),
        in_specs=[row(D), full(D, R), full(E, R)],
        out_specs=(row(R), row(E), row(E), row(E), row(E), row(1), row(1),
                   row(1), pl.BlockSpec((1, E), lambda i: (0, 0))),
        out_shape=(
            jax.ShapeDtypeStruct((N_TOK, R), f32),
            jax.ShapeDtypeStruct((N_TOK, E), f32),
            jax.ShapeDtypeStruct((N_TOK, E), f32),
            jax.ShapeDtypeStruct((N_TOK, E), f32),
            jax.ShapeDtypeStruct((N_TOK, E), f32),
            jax.ShapeDtypeStruct((N_TOK, 1), f32),
            jax.ShapeDtypeStruct((N_TOK, 1), f32),
            jax.ShapeDtypeStruct((N_TOK, 1), f32),
            jax.ShapeDtypeStruct((1, E), f32),
        ),
        scratch_shapes=[pltpu.VMEM((1, E), f32),
                        pltpu.VMEM((M_TILE, M_TILE), jnp.bfloat16)],
    )(hf, vb, Wr)

    pos0, pos1, bexp = pl.pallas_call(
        _stage_a2,
        grid=(1,),
        in_specs=[full(1, E), full(N_TOK, E), full(N_TOK, E),
                  full(N_TOK, E)],
        out_specs=(full(N_TOK, 1), full(N_TOK, 1), full(NBP, 1)),
        out_shape=(
            jax.ShapeDtypeStruct((N_TOK, 1), jnp.int32),
            jax.ShapeDtypeStruct((N_TOK, 1), jnp.int32),
            jax.ShapeDtypeStruct((NBP, 1), jnp.int32),
        ),
    )(counts, rank, oh0, oh1)

    p0f = pos0.reshape(N_TOK)
    p1f = pos1.reshape(N_TOK)
    bexp_flat = bexp.reshape(NBP)[:NB]

    gz = _run_dispatch(p0f, p1f, z)

    ys = pl.pallas_call(
        _stage_c,
        grid_spec=pltpu.PrefetchScalarGridSpec(
            num_scalar_prefetch=1,
            grid=(NB,),
            in_specs=[
                pl.BlockSpec((BLK, R), lambda b, s: (b, 0)),
                pl.BlockSpec((1, WID, R), lambda b, s: (s[b], 0, 0)),
                pl.BlockSpec((1, R, WID), lambda b, s: (s[b], 0, 0)),
            ],
            out_specs=pl.BlockSpec((BLK, R), lambda b, s: (b, 0)),
        ),
        out_shape=jax.ShapeDtypeStruct((NPAD, R), f32),
    )(bexp_flat, gz, w1b, w2b)

    ya, yb = _run_gather(p0f, p1f, ys)

    h_new, p_halt, z_final = pl.pallas_call(
        _stage_e,
        grid=(N_TILES,),
        in_specs=[row(R), row(R), row(R), row(1), row(1), row(1),
                  full(R, D), full(1, D), full(1, 1)],
        out_specs=(row(D), row(1), row(R)),
        out_shape=(
            jax.ShapeDtypeStruct((N_TOK, D), f32),
            jax.ShapeDtypeStruct((N_TOK, 1), f32),
            jax.ShapeDtypeStruct((N_TOK, R), f32),
        ),
    )(z, ya, yb, wv0, wv1, blend, utb, Wh, bh2)

    return (h_new.reshape(B, T, D), probs.reshape(B, T, E),
            p_halt.reshape(B, T), z.reshape(B, T, R),
            z_final.reshape(B, T, R))

# --- scband reference (transcript-rebuilt; emitter-appended) ---
"""Pipeline reference for scband-structured-reasoner-75316546503113 (READ-ONLY COPY).

The authoritative reference and input builder live on the scoring server;
editing this copy changes nothing except your own understanding.
"""

import jax, jax.numpy as jnp
import numpy as np

B, T, D = 2, 2048, 2048
R = 128
E = 8
K = 2
WID = 256

def _orth(key, shape):
    a = jax.random.normal(key, shape, dtype=jnp.float32)
    q, _ = jnp.linalg.qr(a)
    return q.astype(jnp.float32)

def setup_inputs(seed: int = 0) -> dict:
    key = jax.random.key(seed)
    ks = jax.random.split(key, 10)
    h = jax.random.normal(ks[0], (B, T, D), dtype=jnp.float32)
    U = _orth(ks[1], (D, R))
    V = _orth(ks[2], (D, R))
    Wr = jax.random.normal(ks[3], (E, R), dtype=jnp.float32) * 0.02
    W1 = jax.random.normal(ks[4], (E, WID, R), dtype=jnp.float32) * 0.02
    b1 = jnp.zeros((E, WID), dtype=jnp.float32)
    W2 = jax.random.normal(ks[5], (E, R, WID), dtype=jnp.float32) * 0.02
    b2 = jnp.zeros((E, R), dtype=jnp.float32)
    Wh = jax.random.normal(ks[6], (1, D), dtype=jnp.float32) * 0.02
    bh = jnp.zeros((1,), dtype=jnp.float32)
    return {"h": h, "U": U, "V": V, "Wr": Wr, "W1": W1, "b1": b1, "W2": W2, "b2": b2, "Wh": Wh, "bh": bh}

def reference(h, U, V, Wr, W1, b1, W2, b2, Wh, bh):
    # z = V^T h  (project)
    z = h @ V                                   # [B, T, R]
    # router
    logits = z @ Wr.T                           # [B, T, E]
    probs = jax.nn.softmax(logits, axis=-1)
    topv, topi = jax.lax.top_k(probs, K)        # [B, T, K]
    # experts: compute all experts densely, then gather top-k (same math as masked dispatch)
    h1 = jax.nn.silu(jnp.einsum('btr,ewr->btew', z, W1) + b1)   # [B, T, E, WID]
    eo = jnp.einsum('btew,erw->bter', h1, W2) + b2              # [B, T, E, R]
    sel = jnp.take_along_axis(eo, topi[:, :, :, None], axis=2)  # [B, T, K, R]
    z_new = jnp.sum(topv[..., None] * sel, axis=2)              # [B, T, R]
    # blend with residual subspace code
    blend = jnp.minimum(jnp.sum(topv, axis=-1, keepdims=True), 0.9)
    z_final = z_new * blend + z * (1.0 - blend)
    # reconstruct
    h_new = z_final @ U.T                       # [B, T, D]
    # halting
    p_halt = jax.nn.sigmoid(h_new @ Wh.T + bh)[..., 0]          # [B, T]
    return (h_new, probs, p_halt, z, z_final)

if __name__ == "__main__":
    import jax
    _d = setup_inputs()
    print(jax.jit(kernel)(*tuple(_d.values())))

</pallas_src>

<mosaic_0001>
#map = affine_map<(d0, d1) -> (0)>
#map1 = affine_map<(d0, d1) -> (0, 0)>
module attributes {stable_mosaic.version = 14 : i64} {
  func.func @_sc_gather(%arg0: i32, %arg1: i32, %arg2: memref<4096xi32, #tpu.memory_space<hbm>>, %arg3: memref<4096xi32, #tpu.memory_space<hbm>>, %arg4: memref<10240x128xf32, #tpu.memory_space<hbm>>, %arg5: memref<4096x128xf32, #tpu.memory_space<hbm>>, %arg6: memref<4096x128xf32, #tpu.memory_space<hbm>>, %arg7: memref<128xi32, #tpu.memory_space<vmem>>, %arg8: memref<128xi32, #tpu.memory_space<vmem>>, %arg9: memref<128x128xf32, #tpu.memory_space<vmem>>, %arg10: memref<128x128xf32, #tpu.memory_space<vmem>>, %arg11: memref<!tpu.dma_semaphore, #tpu.memory_space<semaphore_mem>>, %arg12: memref<!tpu.dma_semaphore, #tpu.memory_space<semaphore_mem>>) attributes {dimension_semantics = [#tpu.dimension_semantics<core_parallel>, #tpu.dimension_semantics<subcore_parallel>], iteration_bounds = array<i64: 2, 16>, scalar_prefetch = 0 : i64, scratch_operands = 6 : i64, tpu.core_type = #tpu.core_type<sc_vector_subcore>, window_params = [{transform_indices = #map}, {transform_indices = #map}, {transform_indices = #map1}, {transform_indices = #map1}, {transform_indices = #map1}]} {
    %mul3A = arith.constant 2 : i32
    %mul3A_0 = arith.muli %arg1, %mul3A : i32
    %add3A = arith.addi %mul3A_0, %arg0 : i32
    %mul3A_1 = arith.constant 128 : i32
    %mul3A_2 = arith.muli %add3A, %mul3A_1 : i32
    "tpu.region"() ({
      %run_scoped3A = tpu.sem_alloc : memref<!tpu.dma_semaphore, #tpu.memory_space<semaphore_mem>>
      %dma_start3A_13 = tpu.memref_slice %arg2[%mul3A_2] : memref<4096xi32, #tpu.memory_space<hbm>> -> memref<128xi32, #tpu.memory_space<hbm>>
      %dma_start3A_14 = tpu.memref_slice %arg2[%mul3A_2] : memref<4096xi32, #tpu.memory_space<hbm>> -> memref<128xi32, #tpu.memory_space<hbm>>
      tpu.enqueue_dma source(%dma_start3A_14 : memref<128xi32, #tpu.memory_space<hbm>>) target(%arg7 : memref<128xi32, #tpu.memory_space<vmem>>) target_semaphore(%run_scoped3A : memref<!tpu.dma_semaphore, #tpu.memory_space<semaphore_mem>>)
      %dma_wait3A_15 = tpu.memref_slice %arg2[%mul3A_2] : memref<4096xi32, #tpu.memory_space<hbm>> -> memref<128xi32, #tpu.memory_space<hbm>>
      %dma_wait3A_16 = tpu.memref_slice %arg2[%mul3A_2] : memref<4096xi32, #tpu.memory_space<hbm>> -> memref<128xi32, #tpu.memory_space<hbm>>
      tpu.wait_dma2 semaphore(%run_scoped3A : memref<!tpu.dma_semaphore, #tpu.memory_space<semaphore_mem>>) src(%dma_wait3A_16 : memref<128xi32, #tpu.memory_space<hbm>>) dst(%arg7 : memref<128xi32, #tpu.memory_space<vmem>>)
      tpu.yield
    }) : () -> ()
    "tpu.region"() ({
      %run_scoped3A = tpu.sem_alloc : memref<!tpu.dma_semaphore, #tpu.memory_space<semaphore_mem>>
      %dma_start3A_13 = tpu.memref_slice %arg3[%mul3A_2] : memref<4096xi32, #tpu.memory_space<hbm>> -> memref<128xi32, #tpu.memory_space<hbm>>
      %dma_start3A_14 = tpu.memref_slice %arg3[%mul3A_2] : memref<4096xi32, #tpu.memory_space<hbm>> -> memref<128xi32, #tpu.memory_space<hbm>>
      tpu.enqueue_dma source(%dma_start3A_14 : memref<128xi32, #tpu.memory_space<hbm>>) target(%arg8 : memref<128xi32, #tpu.memory_space<vmem>>) target_semaphore(%run_scoped3A : memref<!tpu.dma_semaphore, #tpu.memory_space<semaphore_mem>>)
      %dma_wait3A_15 = tpu.memref_slice %arg3[%mul3A_2] : memref<4096xi32, #tpu.memory_space<hbm>> -> memref<128xi32, #tpu.memory_space<hbm>>
      %dma_wait3A_16 = tpu.memref_slice %arg3[%mul3A_2] : memref<4096xi32, #tpu.memory_space<hbm>> -> memref<128xi32, #tpu.memory_space<hbm>>
      tpu.wait_dma2 semaphore(%run_scoped3A : memref<!tpu.dma_semaphore, #tpu.memory_space<semaphore_mem>>) src(%dma_wait3A_16 : memref<128xi32, #tpu.memory_space<hbm>>) dst(%arg8 : memref<128xi32, #tpu.memory_space<vmem>>)
      tpu.yield
    }) : () -> ()
    %dma_start3A = arith.constant 0 : i32
    %dma_start3A_3 = arith.constant 0 : i32
    %dma_start3A_4 = tpu.memref_slice %arg4[%dma_start3A, %dma_start3A_3] : memref<10240x128xf32, #tpu.memory_space<hbm>> -> memref<10240x128xf32, #tpu.memory_space<hbm>>
    tpu.enqueue_indirect_dma source(%dma_start3A_4 : memref<10240x128xf32, #tpu.memory_space<hbm>>) target(%arg9 : memref<128x128xf32, #tpu.memory_space<vmem>>) offsets(%arg7 : memref<128xi32, #tpu.memory_space<vmem>>) semaphore(%arg11 : memref<!tpu.dma_semaphore, #tpu.memory_space<semaphore_mem>>)
    %dma_start3A_5 = arith.constant 0 : i32
    %dma_start3A_6 = arith.constant 0 : i32
    %dma_start3A_7 = tpu.memref_slice %arg4[%dma_start3A_5, %dma_start3A_6] : memref<10240x128xf32, #tpu.memory_space<hbm>> -> memref<10240x128xf32, #tpu.memory_space<hbm>>
    tpu.enqueue_indirect_dma source(%dma_start3A_7 : memref<10240x128xf32, #tpu.memory_space<hbm>>) target(%arg10 : memref<128x128xf32, #tpu.memory_space<vmem>>) offsets(%arg8 : memref<128xi32, #tpu.memory_space<vmem>>) semaphore(%arg12 : memref<!tpu.dma_semaphore, #tpu.memory_space<semaphore_mem>>)
    %dma_wait3A = arith.constant 0 : i32
    %dma_wait3A_8 = arith.constant 0 : i32
    %dma_wait3A_9 = tpu.memref_slice %arg4[%dma_wait3A, %dma_wait3A_8] : memref<10240x128xf32, #tpu.memory_space<hbm>> -> memref<10240x128xf32, #tpu.memory_space<hbm>>
    tpu.wait_indirect_dma semaphore(%arg11 : memref<!tpu.dma_semaphore, #tpu.memory_space<semaphore_mem>>) src(%dma_wait3A_9 : memref<10240x128xf32, #tpu.memory_space<hbm>>) dst(%arg9 : memref<128x128xf32, #tpu.memory_space<vmem>>)
    %dma_wait3A_10 = arith.constant 0 : i32
    %dma_wait3A_11 = arith.constant 0 : i32
    %dma_wait3A_12 = tpu.memref_slice %arg4[%dma_wait3A_10, %dma_wait3A_11] : memref<10240x128xf32, #tpu.memory_space<hbm>> -> memref<10240x128xf32, #tpu.memory_space<hbm>>
    tpu.wait_indirect_dma semaphore(%arg12 : memref<!tpu.dma_semaphore, #tpu.memory_space<semaphore_mem>>) src(%dma_wait3A_12 : memref<10240x128xf32, #tpu.memory_space<hbm>>) dst(%arg10 : memref<128x128xf32, #tpu.memory_space<vmem>>)
    "tpu.region"() ({
      %run_scoped3A = tpu.sem_alloc : memref<!tpu.dma_semaphore, #tpu.memory_space<semaphore_mem>>
      %dma_start3A_13 = arith.constant 0 : i32
      %dma_start3A_14 = tpu.memref_slice %arg5[%mul3A_2, %dma_start3A_13] : memref<4096x128xf32, #tpu.memory_space<hbm>> -> memref<128x128xf32, #tpu.memory_space<hbm>>
      %dma_start3A_15 = arith.constant 0 : i32
      %dma_start3A_16 = tpu.memref_slice %arg5[%mul3A_2, %dma_start3A_15] : memref<4096x128xf32, #tpu.memory_space<hbm>> -> memref<128x128xf32, #tpu.memory_space<hbm>>
      tpu.enqueue_dma source(%arg9 : memref<128x128xf32, #tpu.memory_space<vmem>>) target(%dma_start3A_16 : memref<128x128xf32, #tpu.memory_space<hbm>>) target_semaphore(%run_scoped3A : memref<!tpu.dma_semaphore, #tpu.memory_space<semaphore_mem>>)
      %dma_wait3A_17 = arith.constant 0 : i32
      %dma_wait3A_18 = tpu.memref_slice %arg5[%mul3A_2, %dma_wait3A_17] : memref<4096x128xf32, #tpu.memory_space<hbm>> -> memref<128x128xf32, #tpu.memory_space<hbm>>
      %dma_wait3A_19 = arith.constant 0 : i32
      %dma_wait3A_20 = tpu.memref_slice %arg5[%mul3A_2, %dma_wait3A_19] : memref<4096x128xf32, #tpu.memory_space<hbm>> -> memref<128x128xf32, #tpu.memory_space<hbm>>
      tpu.wait_dma2 semaphore(%run_scoped3A : memref<!tpu.dma_semaphore, #tpu.memory_space<semaphore_mem>>) src(%arg9 : memref<128x128xf32, #tpu.memory_space<vmem>>) dst(%dma_wait3A_20 : memref<128x128xf32, #tpu.memory_space<hbm>>)
      tpu.yield
    }) : () -> ()
    "tpu.region"() ({
      %run_scoped3A = tpu.sem_alloc : memref<!tpu.dma_semaphore, #tpu.memory_space<semaphore_mem>>
      %dma_start3A_13 = arith.constant 0 : i32
      %dma_start3A_14 = tpu.memref_slice %arg6[%mul3A_2, %dma_start3A_13] : memref<4096x128xf32, #tpu.memory_space<hbm>> -> memref<128x128xf32, #tpu.memory_space<hbm>>
      %dma_start3A_15 = arith.constant 0 : i32
      %dma_start3A_16 = tpu.memref_slice %arg6[%mul3A_2, %dma_start3A_15] : memref<4096x128xf32, #tpu.memory_space<hbm>> -> memref<128x128xf32, #tpu.memory_space<hbm>>
      tpu.enqueue_dma source(%arg10 : memref<128x128xf32, #tpu.memory_space<vmem>>) target(%dma_start3A_16 : memref<128x128xf32, #tpu.memory_space<hbm>>) target_semaphore(%run_scoped3A : memref<!tpu.dma_semaphore, #tpu.memory_space<semaphore_mem>>)
      %dma_wait3A_17 = arith.constant 0 : i32
      %dma_wait3A_18 = tpu.memref_slice %arg6[%mul3A_2, %dma_wait3A_17] : memref<4096x128xf32, #tpu.memory_space<hbm>> -> memref<128x128xf32, #tpu.memory_space<hbm>>
      %dma_wait3A_19 = arith.constant 0 : i32
      %dma_wait3A_20 = tpu.memref_slice %arg6[%mul3A_2, %dma_wait3A_19] : memref<4096x128xf32, #tpu.memory_space<hbm>> -> memref<128x128xf32, #tpu.memory_space<hbm>>
      tpu.wait_dma2 semaphore(%run_scoped3A : memref<!tpu.dma_semaphore, #tpu.memory_space<semaphore_mem>>) src(%arg10 : memref<128x128xf32, #tpu.memory_space<vmem>>) dst(%dma_wait3A_20 : memref<128x128xf32, #tpu.memory_space<hbm>>)
      tpu.yield
    }) : () -> ()
    return
  }
}

#map = affine_map<(d0, d1) -> (0)>
#map1 = affine_map<(d0, d1) -> (0, 0)>
module attributes {stable_mosaic.version = 14 : i64} {
  func.func @_sc_dispatch(%arg0: i32, %arg1: i32, %arg2: memref<4096xi32, #tpu.memory_space<hbm>>, %arg3: memref<4096xi32, #tpu.memory_space<hbm>>, %arg4: memref<4096x128xf32, #tpu.memory_space<hbm>>, %arg5: memref<10240x128xf32, #tpu.memory_space<hbm>>, %arg6: memref<128xi32, #tpu.memory_space<vmem>>, %arg7: memref<128xi32, #tpu.memory_space<vmem>>, %arg8: memref<128x128xf32, #tpu.memory_space<vmem>>, %arg9: memref<!tpu.dma_semaphore, #tpu.memory_space<semaphore_mem>>, %arg10: memref<!tpu.dma_semaphore, #tpu.memory_space<semaphore_mem>>) attributes {dimension_semantics = [#tpu.dimension_semantics<core_parallel>, #tpu.dimension_semantics<subcore_parallel>], iteration_bounds = array<i64: 2, 16>, scalar_prefetch = 0 : i64, scratch_operands = 5 : i64, tpu.core_type = #tpu.core_type<sc_vector_subcore>, window_params = [{transform_indices = #map}, {transform_indices = #map}, {transform_indices = #map1}, {transform_indices = #map1}]} {
    %mul3A = arith.constant 2 : i32
    %mul3A_0 = arith.muli %arg1, %mul3A : i32
    %add3A = arith.addi %mul3A_0, %arg0 : i32
    %mul3A_1 = arith.constant 128 : i32
    %mul3A_2 = arith.muli %add3A, %mul3A_1 : i32
    "tpu.region"() ({
      %run_scoped3A = tpu.sem_alloc : memref<!tpu.dma_semaphore, #tpu.memory_space<semaphore_mem>>
      %dma_start3A_13 = tpu.memref_slice %arg2[%mul3A_2] : memref<4096xi32, #tpu.memory_space<hbm>> -> memref<128xi32, #tpu.memory_space<hbm>>
      %dma_start3A_14 = tpu.memref_slice %arg2[%mul3A_2] : memref<4096xi32, #tpu.memory_space<hbm>> -> memref<128xi32, #tpu.memory_space<hbm>>
      tpu.enqueue_dma source(%dma_start3A_14 : memref<128xi32, #tpu.memory_space<hbm>>) target(%arg6 : memref<128xi32, #tpu.memory_space<vmem>>) target_semaphore(%run_scoped3A : memref<!tpu.dma_semaphore, #tpu.memory_space<semaphore_mem>>)
      %dma_wait3A_15 = tpu.memref_slice %arg2[%mul3A_2] : memref<4096xi32, #tpu.memory_space<hbm>> -> memref<128xi32, #tpu.memory_space<hbm>>
      %dma_wait3A_16 = tpu.memref_slice %arg2[%mul3A_2] : memref<4096xi32, #tpu.memory_space<hbm>> -> memref<128xi32, #tpu.memory_space<hbm>>
      tpu.wait_dma2 semaphore(%run_scoped3A : memref<!tpu.dma_semaphore, #tpu.memory_space<semaphore_mem>>) src(%dma_wait3A_16 : memref<128xi32, #tpu.memory_space<hbm>>) dst(%arg6 : memref<128xi32, #tpu.memory_space<vmem>>)
      tpu.yield
    }) : () -> ()
    "tpu.region"() ({
      %run_scoped3A = tpu.sem_alloc : memref<!tpu.dma_semaphore, #tpu.memory_space<semaphore_mem>>
      %dma_start3A_13 = tpu.memref_slice %arg3[%mul3A_2] : memref<4096xi32, #tpu.memory_space<hbm>> -> memref<128xi32, #tpu.memory_space<hbm>>
      %dma_start3A_14 = tpu.memref_slice %arg3[%mul3A_2] : memref<4096xi32, #tpu.memory_space<hbm>> -> memref<128xi32, #tpu.memory_space<hbm>>
      tpu.enqueue_dma source(%dma_start3A_14 : memref<128xi32, #tpu.memory_space<hbm>>) target(%arg7 : memref<128xi32, #tpu.memory_space<vmem>>) target_semaphore(%run_scoped3A : memref<!tpu.dma_semaphore, #tpu.memory_space<semaphore_mem>>)
      %dma_wait3A_15 = tpu.memref_slice %arg3[%mul3A_2] : memref<4096xi32, #tpu.memory_space<hbm>> -> memref<128xi32, #tpu.memory_space<hbm>>
      %dma_wait3A_16 = tpu.memref_slice %arg3[%mul3A_2] : memref<4096xi32, #tpu.memory_space<hbm>> -> memref<128xi32, #tpu.memory_space<hbm>>
      tpu.wait_dma2 semaphore(%run_scoped3A : memref<!tpu.dma_semaphore, #tpu.memory_space<semaphore_mem>>) src(%dma_wait3A_16 : memref<128xi32, #tpu.memory_space<hbm>>) dst(%arg7 : memref<128xi32, #tpu.memory_space<vmem>>)
      tpu.yield
    }) : () -> ()
    "tpu.region"() ({
      %run_scoped3A = tpu.sem_alloc : memref<!tpu.dma_semaphore, #tpu.memory_space<semaphore_mem>>
      %dma_start3A_13 = arith.constant 0 : i32
      %dma_start3A_14 = tpu.memref_slice %arg4[%mul3A_2, %dma_start3A_13] : memref<4096x128xf32, #tpu.memory_space<hbm>> -> memref<128x128xf32, #tpu.memory_space<hbm>>
      %dma_start3A_15 = arith.constant 0 : i32
      %dma_start3A_16 = tpu.memref_slice %arg4[%mul3A_2, %dma_start3A_15] : memref<4096x128xf32, #tpu.memory_space<hbm>> -> memref<128x128xf32, #tpu.memory_space<hbm>>
      tpu.enqueue_dma source(%dma_start3A_16 : memref<128x128xf32, #tpu.memory_space<hbm>>) target(%arg8 : memref<128x128xf32, #tpu.memory_space<vmem>>) target_semaphore(%run_scoped3A : memref<!tpu.dma_semaphore, #tpu.memory_space<semaphore_mem>>)
      %dma_wait3A_17 = arith.constant 0 : i32
      %dma_wait3A_18 = tpu.memref_slice %arg4[%mul3A_2, %dma_wait3A_17] : memref<4096x128xf32, #tpu.memory_space<hbm>> -> memref<128x128xf32, #tpu.memory_space<hbm>>
      %dma_wait3A_19 = arith.constant 0 : i32
      %dma_wait3A_20 = tpu.memref_slice %arg4[%mul3A_2, %dma_wait3A_19] : memref<4096x128xf32, #tpu.memory_space<hbm>> -> memref<128x128xf32, #tpu.memory_space<hbm>>
      tpu.wait_dma2 semaphore(%run_scoped3A : memref<!tpu.dma_semaphore, #tpu.memory_space<semaphore_mem>>) src(%dma_wait3A_20 : memref<128x128xf32, #tpu.memory_space<hbm>>) dst(%arg8 : memref<128x128xf32, #tpu.memory_space<vmem>>)
      tpu.yield
    }) : () -> ()
    %dma_start3A = arith.constant 0 : i32
    %dma_start3A_3 = arith.constant 0 : i32
    %dma_start3A_4 = tpu.memref_slice %arg5[%dma_start3A, %dma_start3A_3] : memref<10240x128xf32, #tpu.memory_space<hbm>> -> memref<10240x128xf32, #tpu.memory_space<hbm>>
    tpu.enqueue_indirect_dma source(%arg8 : memref<128x128xf32, #tpu.memory_space<vmem>>) target(%dma_start3A_4 : memref<10240x128xf32, #tpu.memory_space<hbm>>) offsets(%arg6 : memref<128xi32, #tpu.memory_space<vmem>>) semaphore(%arg9 : memref<!tpu.dma_semaphore, #tpu.memory_space<semaphore_mem>>)
    %dma_start3A_5 = arith.constant 0 : i32
    %dma_start3A_6 = arith.constant 0 : i32
    %dma_start3A_7 = tpu.memref_slice %arg5[%dma_start3A_5, %dma_start3A_6] : memref<10240x128xf32, #tpu.memory_space<hbm>> -> memref<10240x128xf32, #tpu.memory_space<hbm>>
    tpu.enqueue_indirect_dma source(%arg8 : memref<128x128xf32, #tpu.memory_space<vmem>>) target(%dma_start3A_7 : memref<10240x128xf32, #tpu.memory_space<hbm>>) offsets(%arg7 : memref<128xi32, #tpu.memory_space<vmem>>) semaphore(%arg10 : memref<!tpu.dma_semaphore, #tpu.memory_space<semaphore_mem>>)
    %dma_wait3A = arith.constant 0 : i32
    %dma_wait3A_8 = arith.constant 0 : i32
    %dma_wait3A_9 = tpu.memref_slice %arg5[%dma_wait3A, %dma_wait3A_8] : memref<10240x128xf32, #tpu.memory_space<hbm>> -> memref<10240x128xf32, #tpu.memory_space<hbm>>
    tpu.wait_indirect_dma semaphore(%arg9 : memref<!tpu.dma_semaphore, #tpu.memory_space<semaphore_mem>>) src(%arg8 : memref<128x128xf32, #tpu.memory_space<vmem>>) dst(%dma_wait3A_9 : memref<10240x128xf32, #tpu.memory_space<hbm>>)
    %dma_wait3A_10 = arith.constant 0 : i32
    %dma_wait3A_11 = arith.constant 0 : i32
    %dma_wait3A_12 = tpu.memref_slice %arg5[%dma_wait3A_10, %dma_wait3A_11] : memref<10240x128xf32, #tpu.memory_space<hbm>> -> memref<10240x128xf32, #tpu.memory_space<hbm>>
    tpu.wait_indirect_dma semaphore(%arg10 : memref<!tpu.dma_semaphore, #tpu.memory_space<semaphore_mem>>) src(%arg8 : memref<128x128xf32, #tpu.memory_space<vmem>>) dst(%dma_wait3A_12 : memref<10240x128xf32, #tpu.memory_space<hbm>>)
    return
  }
}

module attributes {stable_mosaic.version = 14 : i64} {
  func.func @_stage_a(%arg0: i32, %arg1: memref<512x2048xf32, #tpu.memory_space<vmem>>, %arg2: memref<2048x128xbf16, #tpu.memory_space<vmem>>, %arg3: memref<8x128xf32, #tpu.memory_space<vmem>>, %arg4: memref<512x128xf32, #tpu.memory_space<vmem>>, %arg5: memref<512x8xf32, #tpu.memory_space<vmem>>, %arg6: memref<512x8xf32, #tpu.memory_space<vmem>>, %arg7: memref<512x8xf32, #tpu.memory_space<vmem>>, %arg8: memref<512x8xf32, #tpu.memory_space<vmem>>, %arg9: memref<512x1xf32, #tpu.memory_space<vmem>>, %arg10: memref<512x1xf32, #tpu.memory_space<vmem>>, %arg11: memref<512x1xf32, #tpu.memory_space<vmem>>, %arg12: memref<1x8xf32, #tpu.memory_space<vmem>>, %arg13: memref<1x8xf32, #tpu.memory_space<vmem>>, %arg14: memref<512x512xbf16, #tpu.memory_space<vmem>>) attributes {dimension_semantics = [#tpu.dimension_semantics<arbitrary>], iteration_bounds = array<i64: 8>, scalar_prefetch = 0 : i64, scratch_operands = 2 : i64, tpu.core_type = #tpu.core_type<tc>, window_params = [{transform_indices = @transform_0, window_bounds = array<i64: 512, 2048>}, {pipeline_mode = #tpu.pipeline_mode<synchronous>, transform_indices = @transform_1, window_bounds = array<i64: 2048, 128>}, {pipeline_mode = #tpu.pipeline_mode<synchronous>, transform_indices = @transform_2, window_bounds = array<i64: 8, 128>}, {transform_indices = @transform_3, window_bounds = array<i64: 512, 128>}, {transform_indices = @transform_4, window_bounds = array<i64: 512, 8>}, {transform_indices = @transform_5, window_bounds = array<i64: 512, 8>}, {transform_indices = @transform_6, window_bounds = array<i64: 512, 8>}, {transform_indices = @transform_7, window_bounds = array<i64: 512, 8>}, {transform_indices = @transform_8, window_bounds = array<i64: 512, 1>}, {transform_indices = @transform_9, window_bounds = array<i64: 512, 1>}, {transform_indices = @transform_10, window_bounds = array<i64: 512, 1>}, {pipeline_mode = #tpu.pipeline_mode<synchronous>, transform_indices = @transform_11, window_bounds = array<i64: 1, 8>}]} {
    %eq3A = arith.constant 0 : i32
    %eq3A_0 = arith.cmpi eq, %arg0, %eq3A : i32
    %convert_element_type3A = arith.extui %eq3A_0 : i1 to i32
    %cond3A = arith.constant 0 : i32
    %cond3A_1 = arith.cmpi ne, %convert_element_type3A, %cond3A : i32
    scf.if %cond3A_1 {
      %broadcast_in_dim3A_106 = arith.constant 0.000000e+00 : f32
      %broadcast_in_dim3A_107 = vector.broadcast %broadcast_in_dim3A_106 : f32 to vector<1x8xf32>
      %swap3A_108 = arith.constant 0 : index
      %swap3A_109 = arith.constant 0 : index
      %swap3A_110 = vector.load %arg13[%swap3A_108, %swap3A_109] : memref<1x8xf32, #tpu.memory_space<vmem>>, vector<1x8xf32>
      tpu.vector_store %arg13[%swap3A_108, %swap3A_109], %broadcast_in_dim3A_107 {strides = array<i32>} : memref<1x8xf32, #tpu.memory_space<vmem>>, vector<1x8xf32>,
      %iota3A_111 = tpu.iota {dimensions = array<i32: 0>} : vector<512x512xi32>
      %iota3A_112 = tpu.iota {dimensions = array<i32: 1>} : vector<512x512xi32>
      %lt3A = arith.cmpi slt, %iota3A_112, %iota3A_111 : vector<512x512xi32>
      %jit3A_113 = arith.constant 1.000000e+00 : f32
      %jit3A_114 = arith.constant 0.000000e+00 : f32
      %broadcast_in_dim3A_115 = vector.broadcast %jit3A_113 : f32 to vector<512x512xf32>
      %broadcast_in_dim3A_116 = vector.broadcast %jit3A_114 : f32 to vector<512x512xf32>
      %select_n3A_117 = arith.select %lt3A, %broadcast_in_dim3A_115, %broadcast_in_dim3A_116 : vector<512x512xi1>, vector<512x512xf32>
      %convert_element_type3A_118 = arith.truncf %select_n3A_117 : vector<512x512xf32> to vector<512x512xbf16>
      %swap3A_119 = arith.constant 0 : index
      %swap3A_120 = arith.constant 0 : index
      %swap3A_121 = vector.load %arg14[%swap3A_119, %swap3A_120] : memref<512x512xbf16, #tpu.memory_space<vmem>>, vector<512x512xbf16>
      tpu.vector_store %arg14[%swap3A_119, %swap3A_120], %convert_element_type3A_118 {strides = array<i32>} : memref<512x512xbf16, #tpu.memory_space<vmem>>, vector<512x512xbf16>,
    } else {
    }
    %get3A = arith.constant 0 : index
    %get3A_2 = arith.constant 0 : index
    %get3A_3 = vector.load %arg1[%get3A, %get3A_2] : memref<512x2048xf32, #tpu.memory_space<vmem>>, vector<512x2048xf32>
    %convert_element_type3A_4 = arith.truncf %get3A_3 : vector<512x2048xf32> to vector<512x2048xbf16>
    %get3A_5 = arith.constant 0 : index
    %get3A_6 = arith.constant 0 : index
    %get3A_7 = vector.load %arg2[%get3A_5, %get3A_6] : memref<2048x128xbf16, #tpu.memory_space<vmem>>, vector<2048x128xbf16>
    %dot_general3A = arith.constant dense<0.000000e+00> : vector<512x128xf32>
    %dot_general3A_8 = tpu.matmul %convert_element_type3A_4, %get3A_7, %dot_general3A {dimension_numbers = #tpu.dot_dimension_numbers<[1], [0], [0], [1], [0, 0, 1, 1], [], []>, transpose_lhs_hint = false} : vector<512x2048xbf16>, vector<2048x128xbf16>, vector<512x128xf32> -> vector<512x128xf32>
    %swap3A = arith.constant 0 : index
    %swap3A_9 = arith.constant 0 : index
    %swap3A_10 = vector.load %arg4[%swap3A, %swap3A_9] : memref<512x128xf32, #tpu.memory_space<vmem>>, vector<512x128xf32>
    tpu.vector_store %arg4[%swap3A, %swap3A_9], %dot_general3A_8 {strides = array<i32>} : memref<512x128xf32, #tpu.memory_space<vmem>>, vector<512x128xf32>,
    %get3A_11 = arith.constant 0 : index
    %get3A_12 = arith.constant 0 : index
    %get3A_13 = vector.load %arg3[%get3A_11, %get3A_12] : memref<8x128xf32, #tpu.memory_space<vmem>>, vector<8x128xf32>
    %dot_general3A_14 = arith.constant dense<0.000000e+00> : vector<512x8xf32>
    %dot_general3A_15 = tpu.matmul %dot_general3A_8, %get3A_13, %dot_general3A_14 {dimension_numbers = #tpu.dot_dimension_numbers<[1], [1], [0], [0], [0, 0, 1, 0], [], []>, transpose_lhs_hint = false} : vector<512x128xf32>, vector<8x128xf32>, vector<512x8xf32> -> vector<512x8xf32>
    %reduce_max3A = arith.constant dense<0xFF800000> : vector<512xf32>
    %reduce_max3A_16 = vector.multi_reduction <maximumf>, %dot_general3A_15, %reduce_max3A [1] : vector<512x8xf32> to vector<512xf32>
    %broadcast_in_dim3A = vector.shape_cast %reduce_max3A_16 : vector<512xf32> to vector<512x1xf32>
    %sub3A = vector.broadcast %broadcast_in_dim3A : vector<512x1xf32> to vector<512x8xf32>
    %sub3A_17 = arith.subf %dot_general3A_15, %sub3A : vector<512x8xf32>
    %exp3A = math.exp %sub3A_17 : vector<512x8xf32>
    %reduce_sum3A = arith.constant dense<0.000000e+00> : vector<512xf32>
    %reduce_sum3A_18 = vector.multi_reduction <add>, %exp3A, %reduce_sum3A [1] : vector<512x8xf32> to vector<512xf32>
    %broadcast_in_dim3A_19 = vector.shape_cast %reduce_sum3A_18 : vector<512xf32> to vector<512x1xf32>
    %div3A = vector.broadcast %broadcast_in_dim3A_19 : vector<512x1xf32> to vector<512x8xf32>
    %div3A_20 = arith.divf %exp3A, %div3A : vector<512x8xf32>
    %swap3A_21 = arith.constant 0 : index
    %swap3A_22 = arith.constant 0 : index
    %swap3A_23 = vector.load %arg5[%swap3A_21, %swap3A_22] : memref<512x8xf32, #tpu.memory_space<vmem>>, vector<512x8xf32>
    tpu.vector_store %arg5[%swap3A_21, %swap3A_22], %div3A_20 {strides = array<i32>} : memref<512x8xf32, #tpu.memory_space<vmem>>, vector<512x8xf32>,
    %iota3A = tpu.iota {dimensions = array<i32: 1>} : vector<512x8xi32>
    %reduce_max3A_24 = arith.constant dense<0xFF800000> : vector<512xf32>
    %reduce_max3A_25 = vector.multi_reduction <maximumf>, %div3A_20, %reduce_max3A_24 [1] : vector<512x8xf32> to vector<512xf32>
    %broadcast_in_dim3A_26 = vector.shape_cast %reduce_max3A_25 : vector<512xf32> to vector<512x1xf32>
    %eq3A_27 = vector.broadcast %broadcast_in_dim3A_26 : vector<512x1xf32> to vector<512x8xf32>
    %eq3A_28 = arith.cmpf oeq, %div3A_20, %eq3A_27 : vector<512x8xf32>
    %jit3A = arith.constant 8 : i32
    %broadcast_in_dim3A_29 = vector.broadcast %jit3A : i32 to vector<512x8xi32>
    %select_n3A = arith.select %eq3A_28, %iota3A, %broadcast_in_dim3A_29 : vector<512x8xi1>, vector<512x8xi32>
    %reduce_min3A = arith.constant dense<2147483647> : vector<512xi32>
    %reduce_min3A_30 = vector.multi_reduction <minsi>, %select_n3A, %reduce_min3A [1] : vector<512x8xi32> to vector<512xi32>
    %broadcast_in_dim3A_31 = vector.shape_cast %reduce_min3A_30 : vector<512xi32> to vector<512x1xi32>
    %eq3A_32 = vector.broadcast %broadcast_in_dim3A_31 : vector<512x1xi32> to vector<512x8xi32>
    %eq3A_33 = arith.cmpi eq, %iota3A, %eq3A_32 : vector<512x8xi32>
    %jit3A_34 = arith.constant 0xFF800000 : f32
    %broadcast_in_dim3A_35 = vector.broadcast %jit3A_34 : f32 to vector<512x8xf32>
    %select_n3A_36 = arith.select %eq3A_33, %broadcast_in_dim3A_35, %div3A_20 : vector<512x8xi1>, vector<512x8xf32>
    %reduce_max3A_37 = arith.constant dense<0xFF800000> : vector<512xf32>
    %reduce_max3A_38 = vector.multi_reduction <maximumf>, %select_n3A_36, %reduce_max3A_37 [1] : vector<512x8xf32> to vector<512xf32>
    %broadcast_in_dim3A_39 = vector.shape_cast %reduce_max3A_38 : vector<512xf32> to vector<512x1xf32>
    %eq3A_40 = vector.broadcast %broadcast_in_dim3A_39 : vector<512x1xf32> to vector<512x8xf32>
    %eq3A_41 = arith.cmpf oeq, %select_n3A_36, %eq3A_40 : vector<512x8xf32>
    %jit3A_42 = arith.constant 8 : i32
    %broadcast_in_dim3A_43 = vector.broadcast %jit3A_42 : i32 to vector<512x8xi32>
    %select_n3A_44 = arith.select %eq3A_41, %iota3A, %broadcast_in_dim3A_43 : vector<512x8xi1>, vector<512x8xi32>
    %reduce_min3A_45 = arith.constant dense<2147483647> : vector<512xi32>
    %reduce_min3A_46 = vector.multi_reduction <minsi>, %select_n3A_44, %reduce_min3A_45 [1] : vector<512x8xi32> to vector<512xi32>
    %broadcast_in_dim3A_47 = vector.shape_cast %reduce_min3A_46 : vector<512xi32> to vector<512x1xi32>
    %eq3A_48 = vector.broadcast %broadcast_in_dim3A_47 : vector<512x1xi32> to vector<512x8xi32>
    %eq3A_49 = arith.cmpi eq, %iota3A, %eq3A_48 : vector<512x8xi32>
    %convert_element_type3A_50 = arith.extui %eq3A_33 : vector<512x8xi1> to vector<512x8xi32>
    %convert_element_type3A_51 = arith.sitofp %convert_element_type3A_50 : vector<512x8xi32> to vector<512x8xf32>
    %convert_element_type3A_52 = arith.extui %eq3A_49 : vector<512x8xi1> to vector<512x8xi32>
    %convert_element_type3A_53 = arith.sitofp %convert_element_type3A_52 : vector<512x8xi32> to vector<512x8xf32>
    %swap3A_54 = arith.constant 0 : index
    %swap3A_55 = arith.constant 0 : index
    %swap3A_56 = vector.load %arg7[%swap3A_54, %swap3A_55] : memref<512x8xf32, #tpu.memory_space<vmem>>, vector<512x8xf32>
    tpu.vector_store %arg7[%swap3A_54, %swap3A_55], %convert_element_type3A_51 {strides = array<i32>} : memref<512x8xf32, #tpu.memory_space<vmem>>, vector<512x8xf32>,
    %swap3A_57 = arith.constant 0 : index
    %swap3A_58 = arith.constant 0 : index
    %swap3A_59 = vector.load %arg8[%swap3A_57, %swap3A_58] : memref<512x8xf32, #tpu.memory_space<vmem>>, vector<512x8xf32>
    tpu.vector_store %arg8[%swap3A_57, %swap3A_58], %convert_element_type3A_53 {strides = array<i32>} : memref<512x8xf32, #tpu.memory_space<vmem>>, vector<512x8xf32>,
    %mul3A = arith.mulf %convert_element_type3A_51, %div3A_20 : vector<512x8xf32>
    %reduce_sum3A_60 = arith.constant dense<0.000000e+00> : vector<512xf32>
    %reduce_sum3A_61 = vector.multi_reduction <add>, %mul3A, %reduce_sum3A_60 [1] : vector<512x8xf32> to vector<512xf32>
    %broadcast_in_dim3A_62 = vector.shape_cast %reduce_sum3A_61 : vector<512xf32> to vector<512x1xf32>
    %mul3A_63 = arith.mulf %convert_element_type3A_53, %div3A_20 : vector<512x8xf32>
    %reduce_sum3A_64 = arith.constant dense<0.000000e+00> : vector<512xf32>
    %reduce_sum3A_65 = vector.multi_reduction <add>, %mul3A_63, %reduce_sum3A_64 [1] : vector<512x8xf32> to vector<512xf32>
    %broadcast_in_dim3A_66 = vector.shape_cast %reduce_sum3A_65 : vector<512xf32> to vector<512x1xf32>
    %swap3A_67 = arith.constant 0 : index
    %swap3A_68 = arith.constant 0 : index
    %swap3A_69 = vector.load %arg9[%swap3A_67, %swap3A_68] : memref<512x1xf32, #tpu.memory_space<vmem>>, vector<512x1xf32>
    tpu.vector_store %arg9[%swap3A_67, %swap3A_68], %broadcast_in_dim3A_62 {strides = array<i32>} : memref<512x1xf32, #tpu.memory_space<vmem>>, vector<512x1xf32>,
    %swap3A_70 = arith.constant 0 : index
    %swap3A_71 = arith.constant 0 : index
    %swap3A_72 = vector.load %arg10[%swap3A_70, %swap3A_71] : memref<512x1xf32, #tpu.memory_space<vmem>>, vector<512x1xf32>
    tpu.vector_store %arg10[%swap3A_70, %swap3A_71], %broadcast_in_dim3A_66 {strides = array<i32>} : memref<512x1xf32, #tpu.memory_space<vmem>>, vector<512x1xf32>,
    %add3A = arith.addf %broadcast_in_dim3A_62, %broadcast_in_dim3A_66 : vector<512x1xf32>
    %min3A = arith.constant 0.899999976 : f32
    %min3A_73 = vector.broadcast %min3A : f32 to vector<512x1xf32>
    %min3A_74 = arith.minimumf %add3A, %min3A_73 : vector<512x1xf32>
    %swap3A_75 = arith.constant 0 : index
    %swap3A_76 = arith.constant 0 : index
    %swap3A_77 = vector.load %arg11[%swap3A_75, %swap3A_76] : memref<512x1xf32, #tpu.memory_space<vmem>>, vector<512x1xf32>
    tpu.vector_store %arg11[%swap3A_75, %swap3A_76], %min3A_74 {strides = array<i32>} : memref<512x1xf32, #tpu.memory_space<vmem>>, vector<512x1xf32>,
    %add3A_78 = arith.addf %convert_element_type3A_51, %convert_element_type3A_53 : vector<512x8xf32>
    %get3A_79 = arith.constant 0 : index
    %get3A_80 = arith.constant 0 : index
    %get3A_81 = vector.load %arg14[%get3A_79, %get3A_80] : memref<512x512xbf16, #tpu.memory_space<vmem>>, vector<512x512xbf16>
    %convert_element_type3A_82 = arith.truncf %add3A_78 : vector<512x8xf32> to vector<512x8xbf16>
    %dot_general3A_83 = arith.constant dense<0.000000e+00> : vector<512x8xf32>
    %dot_general3A_84 = tpu.matmul %get3A_81, %convert_element_type3A_82, %dot_general3A_83 {dimension_numbers = #tpu.dot_dimension_numbers<[1], [0], [0], [1], [0, 0, 1, 1], [], []>, transpose_lhs_hint = false} : vector<512x512xbf16>, vector<512x8xbf16>, vector<512x8xf32> -> vector<512x8xf32>
    %get3A_85 = arith.constant 0 : index
    %get3A_86 = arith.constant 0 : index
    %get3A_87 = vector.load %arg13[%get3A_85, %get3A_86] : memref<1x8xf32, #tpu.memory_space<vmem>>, vector<1x8xf32>
    %add3A_88 = vector.broadcast %get3A_87 : vector<1x8xf32> to vector<512x8xf32>
    %add3A_89 = arith.addf %dot_general3A_84, %add3A_88 : vector<512x8xf32>
    %swap3A_90 = arith.constant 0 : index
    %swap3A_91 = arith.constant 0 : index
    %swap3A_92 = vector.load %arg6[%swap3A_90, %swap3A_91] : memref<512x8xf32, #tpu.memory_space<vmem>>, vector<512x8xf32>
    tpu.vector_store %arg6[%swap3A_90, %swap3A_91], %add3A_89 {strides = array<i32>} : memref<512x8xf32, #tpu.memory_space<vmem>>, vector<512x8xf32>,
    %get3A_93 = arith.constant 0 : index
    %get3A_94 = arith.constant 0 : index
    %get3A_95 = vector.load %arg13[%get3A_93, %get3A_94] : memref<1x8xf32, #tpu.memory_space<vmem>>, vector<1x8xf32>
    %reduce_sum3A_96 = arith.constant dense<0.000000e+00> : vector<8xf32>
    %reduce_sum3A_97 = vector.multi_reduction <add>, %add3A_78, %reduce_sum3A_96 [0] : vector<512x8xf32> to vector<8xf32>
    %broadcast_in_dim3A_98 = vector.shape_cast %reduce_sum3A_97 : vector<8xf32> to vector<1x8xf32>
    %add3A_99 = arith.addf %get3A_95, %broadcast_in_dim3A_98 : vector<1x8xf32>
    %swap3A_100 = arith.constant 0 : index
    %swap3A_101 = arith.constant 0 : index
    %swap3A_102 = vector.load %arg13[%swap3A_100, %swap3A_101] : memref<1x8xf32, #tpu.memory_space<vmem>>, vector<1x8xf32>
    tpu.vector_store %arg13[%swap3A_100, %swap3A_101], %add3A_99 {strides = array<i32>} : memref<1x8xf32, #tpu.memory_space<vmem>>, vector<1x8xf32>,
    %swap3A_103 = arith.constant 0 : index
    %swap3A_104 = arith.constant 0 : index
    %swap3A_105 = vector.load %arg12[%swap3A_103, %swap3A_104] : memref<1x8xf32, #tpu.memory_space<vmem>>, vector<1x8xf32>
    tpu.vector_store %arg12[%swap3A_103, %swap3A_104], %add3A_99 {strides = array<i32>} : memref<1x8xf32, #tpu.memory_space<vmem>>, vector<1x8xf32>,
    return
  }
  func.func @transform_0(%arg0: i32) -> (i32, i32) {
    %c0_i32 = arith.constant 0 : i32
    %c0_i32_0 = arith.constant 0 : i32
    return %arg0, %c0_i32 : i32, i32
  }
  func.func @transform_1(%arg0: i32) -> (i32, i32) {
    %c0_i32 = arith.constant 0 : i32
    %c0_i32_0 = arith.constant 0 : i32
    %c0_i32_1 = arith.constant 0 : i32
    return %c0_i32, %c0_i32_0 : i32, i32
  }
  func.func @transform_2(%arg0: i32) -> (i32, i32) {
    %c0_i32 = arith.constant 0 : i32
    %c0_i32_0 = arith.constant 0 : i32
    %c0_i32_1 = arith.constant 0 : i32
    return %c0_i32, %c0_i32_0 : i32, i32
  }
  func.func @transform_3(%arg0: i32) -> (i32, i32) {
    %c0_i32 = arith.constant 0 : i32
    %c0_i32_0 = arith.constant 0 : i32
    return %arg0, %c0_i32 : i32, i32
  }
  func.func @transform_4(%arg0: i32) -> (i32, i32) {
    %c0_i32 = arith.constant 0 : i32
    %c0_i32_0 = arith.constant 0 : i32
    return %arg0, %c0_i32 : i32, i32
  }
  func.func @transform_5(%arg0: i32) -> (i32, i32) {
    %c0_i32 = arith.constant 0 : i32
    %c0_i32_0 = arith.constant 0 : i32
    return %arg0, %c0_i32 : i32, i32
  }
  func.func @transform_6(%arg0: i32) -> (i32, i32) {
    %c0_i32 = arith.constant 0 : i32
    %c0_i32_0 = arith.constant 0 : i32
    return %arg0, %c0_i32 : i32, i32
  }
  func.func @transform_7(%arg0: i32) -> (i32, i32) {
    %c0_i32 = arith.constant 0 : i32
    %c0_i32_0 = arith.constant 0 : i32
    return %arg0, %c0_i32 : i32, i32
  }
  func.func @transform_8(%arg0: i32) -> (i32, i32) {
    %c0_i32 = arith.constant 0 : i32
    %c0_i32_0 = arith.constant 0 : i32
    return %arg0, %c0_i32 : i32, i32
  }
  func.func @transform_9(%arg0: i32) -> (i32, i32) {
    %c0_i32 = arith.constant 0 : i32
    %c0_i32_0 = arith.constant 0 : i32
    return %arg0, %c0_i32 : i32, i32
  }
  func.func @transform_10(%arg0: i32) -> (i32, i32) {
    %c0_i32 = arith.constant 0 : i32
    %c0_i32_0 = arith.constant 0 : i32
    return %arg0, %c0_i32 : i32, i32
  }
  func.func @transform_11(%arg0: i32) -> (i32, i32) {
    %c0_i32 = arith.constant 0 : i32
    %c0_i32_0 = arith.constant 0 : i32
    %c0_i32_1 = arith.constant 0 : i32
    return %c0_i32, %c0_i32_0 : i32, i32
  }
}

module attributes {stable_mosaic.version = 14 : i64} {
  func.func @_stage_a2(%arg0: i32, %arg1: memref<1x8xf32, #tpu.memory_space<vmem>>, %arg2: memref<4096x8xf32, #tpu.memory_space<vmem>>, %arg3: memref<4096x8xf32, #tpu.memory_space<vmem>>, %arg4: memref<4096x8xf32, #tpu.memory_space<vmem>>, %arg5: memref<4096x1xi32, #tpu.memory_space<vmem>>, %arg6: memref<4096x1xi32, #tpu.memory_space<vmem>>, %arg7: memref<48x1xi32, #tpu.memory_space<vmem>>) attributes {dimension_semantics = [#tpu.dimension_semantics<arbitrary>], iteration_bounds = array<i64: 1>, scalar_prefetch = 0 : i64, scratch_operands = 0 : i64, tpu.core_type = #tpu.core_type<tc>, window_params = [{pipeline_mode = #tpu.pipeline_mode<synchronous>, transform_indices = @transform_0, window_bounds = array<i64: 1, 8>}, {pipeline_mode = #tpu.pipeline_mode<synchronous>, transform_indices = @transform_1, window_bounds = array<i64: 4096, 8>}, {pipeline_mode = #tpu.pipeline_mode<synchronous>, transform_indices = @transform_2, window_bounds = array<i64: 4096, 8>}, {pipeline_mode = #tpu.pipeline_mode<synchronous>, transform_indices = @transform_3, window_bounds = array<i64: 4096, 8>}, {pipeline_mode = #tpu.pipeline_mode<synchronous>, transform_indices = @transform_4, window_bounds = array<i64: 4096, 1>}, {pipeline_mode = #tpu.pipeline_mode<synchronous>, transform_indices = @transform_5, window_bounds = array<i64: 4096, 1>}, {pipeline_mode = #tpu.pipeline_mode<synchronous>, transform_indices = @transform_6, window_bounds = array<i64: 48, 1>}]} {
    %get3A = arith.constant 0 : index
    %get3A_0 = arith.constant 0 : index
    %get3A_1 = vector.load %arg1[%get3A, %get3A_0] : memref<1x8xf32, #tpu.memory_space<vmem>>, vector<1x8xf32>
    %convert_element_type3A = arith.fptosi %get3A_1 : vector<1x8xf32> to vector<1x8xi32>
    %add3A = arith.constant 255 : i32
    %add3A_2 = vector.broadcast %add3A : i32 to vector<1x8xi32>
    %add3A_3 = arith.addi %convert_element_type3A, %add3A_2 : vector<1x8xi32>
    %shift_right_logical3A = arith.constant 8 : i32
    %shift_right_logical3A_4 = vector.broadcast %shift_right_logical3A : i32 to vector<1x8xi32>
    %shift_right_logical3A_5 = arith.shrui %add3A_3, %shift_right_logical3A_4 : vector<1x8xi32>
    %shift_left3A = arith.constant 8 : i32
    %shift_left3A_6 = vector.broadcast %shift_left3A : i32 to vector<1x8xi32>
    %shift_left3A_7 = arith.shli %shift_right_logical3A_5, %shift_left3A_6 : vector<1x8xi32>
    %convert_element_type3A_8 = arith.sitofp %shift_left3A_7 : vector<1x8xi32> to vector<1x8xf32>
    %iota3A = tpu.iota {dimensions = array<i32: 0>} : vector<8x8xi32>
    %iota3A_9 = tpu.iota {dimensions = array<i32: 1>} : vector<8x8xi32>
    %lt3A = arith.cmpi slt, %iota3A, %iota3A_9 : vector<8x8xi32>
    %jit3A = arith.constant 1.000000e+00 : f32
    %jit3A_10 = arith.constant 0.000000e+00 : f32
    %broadcast_in_dim3A = vector.broadcast %jit3A : f32 to vector<8x8xf32>
    %broadcast_in_dim3A_11 = vector.broadcast %jit3A_10 : f32 to vector<8x8xf32>
    %select_n3A = arith.select %lt3A, %broadcast_in_dim3A, %broadcast_in_dim3A_11 : vector<8x8xi1>, vector<8x8xf32>
    %dot_general3A = arith.constant dense<0.000000e+00> : vector<1x8xf32>
    %dot_general3A_12 = tpu.matmul %convert_element_type3A_8, %select_n3A, %dot_general3A {dimension_numbers = #tpu.dot_dimension_numbers<[1], [0], [0], [1], [0, 0, 1, 1], [], []>, transpose_lhs_hint = false} : vector<1x8xf32>, vector<8x8xf32>, vector<1x8xf32> -> vector<1x8xf32>
    %get3A_13 = arith.constant 0 : index
    %get3A_14 = arith.constant 0 : index
    %get3A_15 = vector.load %arg2[%get3A_13, %get3A_14] : memref<4096x8xf32, #tpu.memory_space<vmem>>, vector<4096x8xf32>
    %add3A_16 = vector.broadcast %dot_general3A_12 : vector<1x8xf32> to vector<4096x8xf32>
    %add3A_17 = arith.addf %get3A_15, %add3A_16 : vector<4096x8xf32>
    %get3A_18 = arith.constant 0 : index
    %get3A_19 = arith.constant 0 : index
    %get3A_20 = vector.load %arg3[%get3A_18, %get3A_19] : memref<4096x8xf32, #tpu.memory_space<vmem>>, vector<4096x8xf32>
    %mul3A = arith.mulf %get3A_20, %add3A_17 : vector<4096x8xf32>
    %reduce_sum3A = arith.constant dense<0.000000e+00> : vector<4096xf32>
    %reduce_sum3A_21 = vector.multi_reduction <add>, %mul3A, %reduce_sum3A [1] : vector<4096x8xf32> to vector<4096xf32>
    %broadcast_in_dim3A_22 = vector.shape_cast %reduce_sum3A_21 : vector<4096xf32> to vector<4096x1xf32>
    %convert_element_type3A_23 = arith.fptosi %broadcast_in_dim3A_22 : vector<4096x1xf32> to vector<4096x1xi32>
    %swap3A = arith.constant 0 : index
    %swap3A_24 = arith.constant 0 : index
    %swap3A_25 = vector.load %arg5[%swap3A, %swap3A_24] : memref<4096x1xi32, #tpu.memory_space<vmem>>, vector<4096x1xi32>
    tpu.vector_store %arg5[%swap3A, %swap3A_24], %convert_element_type3A_23 {strides = array<i32>} : memref<4096x1xi32, #tpu.memory_space<vmem>>, vector<4096x1xi32>,
    %get3A_26 = arith.constant 0 : index
    %get3A_27 = arith.constant 0 : index
    %get3A_28 = vector.load %arg4[%get3A_26, %get3A_27] : memref<4096x8xf32, #tpu.memory_space<vmem>>, vector<4096x8xf32>
    %mul3A_29 = arith.mulf %get3A_28, %add3A_17 : vector<4096x8xf32>
    %reduce_sum3A_30 = arith.constant dense<0.000000e+00> : vector<4096xf32>
    %reduce_sum3A_31 = vector.multi_reduction <add>, %mul3A_29, %reduce_sum3A_30 [1] : vector<4096x8xf32> to vector<4096xf32>
    %broadcast_in_dim3A_32 = vector.shape_cast %reduce_sum3A_31 : vector<4096xf32> to vector<4096x1xf32>
    %convert_element_type3A_33 = arith.fptosi %broadcast_in_dim3A_32 : vector<4096x1xf32> to vector<4096x1xi32>
    %swap3A_34 = arith.constant 0 : index
    %swap3A_35 = arith.constant 0 : index
    %swap3A_36 = vector.load %arg6[%swap3A_34, %swap3A_35] : memref<4096x1xi32, #tpu.memory_space<vmem>>, vector<4096x1xi32>
    tpu.vector_store %arg6[%swap3A_34, %swap3A_35], %convert_element_type3A_33 {strides = array<i32>} : memref<4096x1xi32, #tpu.memory_space<vmem>>, vector<4096x1xi32>,
    %iota3A_37 = tpu.iota {dimensions = array<i32: 0>} : vector<48x8xi32>
    %mul3A_38 = arith.constant 256 : i32
    %mul3A_39 = vector.broadcast %mul3A_38 : i32 to vector<48x8xi32>
    %mul3A_40 = arith.muli %iota3A_37, %mul3A_39 : vector<48x8xi32>
    %convert_element_type3A_41 = arith.fptosi %dot_general3A_12 : vector<1x8xf32> to vector<1x8xi32>
    %ge3A = vector.broadcast %convert_element_type3A_41 : vector<1x8xi32> to vector<48x8xi32>
    %ge3A_42 = arith.cmpi sge, %mul3A_40, %ge3A : vector<48x8xi32>
    %convert_element_type3A_43 = arith.extui %ge3A_42 : vector<48x8xi1> to vector<48x8xi32>
    %reduce_sum3A_44 = arith.constant dense<0> : vector<48xi32>
    %reduce_sum3A_45 = vector.multi_reduction <add>, %convert_element_type3A_43, %reduce_sum3A_44 [1] : vector<48x8xi32> to vector<48xi32>
    %broadcast_in_dim3A_46 = vector.shape_cast %reduce_sum3A_45 : vector<48xi32> to vector<48x1xi32>
    %sub3A = arith.constant 1 : i32
    %sub3A_47 = vector.broadcast %sub3A : i32 to vector<48x1xi32>
    %sub3A_48 = arith.subi %broadcast_in_dim3A_46, %sub3A_47 : vector<48x1xi32>
    %jit3A_49 = arith.constant 0 : i32
    %jit3A_50 = arith.constant 7 : i32
    %max3A = vector.broadcast %jit3A_49 : i32 to vector<48x1xi32>
    %max3A_51 = arith.maxsi %max3A, %sub3A_48 : vector<48x1xi32>
    %min3A = vector.broadcast %jit3A_50 : i32 to vector<48x1xi32>
    %min3A_52 = arith.minsi %min3A, %max3A_51 : vector<48x1xi32>
    %swap3A_53 = arith.constant 0 : index
    %swap3A_54 = arith.constant 0 : index
    %swap3A_55 = vector.load %arg7[%swap3A_53, %swap3A_54] : memref<48x1xi32, #tpu.memory_space<vmem>>, vector<48x1xi32>
    tpu.vector_store %arg7[%swap3A_53, %swap3A_54], %min3A_52 {strides = array<i32>} : memref<48x1xi32, #tpu.memory_space<vmem>>, vector<48x1xi32>,
    return
  }
  func.func @transform_0(%arg0: i32) -> (i32, i32) {
    %c0_i32 = arith.constant 0 : i32
    %c0_i32_0 = arith.constant 0 : i32
    %c0_i32_1 = arith.constant 0 : i32
    return %c0_i32, %c0_i32_0 : i32, i32
  }
  func.func @transform_1(%arg0: i32) -> (i32, i32) {
    %c0_i32 = arith.constant 0 : i32
    %c0_i32_0 = arith.constant 0 : i32
    %c0_i32_1 = arith.constant 0 : i32
    return %c0_i32, %c0_i32_0 : i32, i32
  }
  func.func @transform_2(%arg0: i32) -> (i32, i32) {
    %c0_i32 = arith.constant 0 : i32
    %c0_i32_0 = arith.constant 0 : i32
    %c0_i32_1 = arith.constant 0 : i32
    return %c0_i32, %c0_i32_0 : i32, i32
  }
  func.func @transform_3(%arg0: i32) -> (i32, i32) {
    %c0_i32 = arith.constant 0 : i32
    %c0_i32_0 = arith.constant 0 : i32
    %c0_i32_1 = arith.constant 0 : i32
    return %c0_i32, %c0_i32_0 : i32, i32
  }
  func.func @transform_4(%arg0: i32) -> (i32, i32) {
    %c0_i32 = arith.constant 0 : i32
    %c0_i32_0 = arith.constant 0 : i32
    %c0_i32_1 = arith.constant 0 : i32
    return %c0_i32, %c0_i32_0 : i32, i32
  }
  func.func @transform_5(%arg0: i32) -> (i32, i32) {
    %c0_i32 = arith.constant 0 : i32
    %c0_i32_0 = arith.constant 0 : i32
    %c0_i32_1 = arith.constant 0 : i32
    return %c0_i32, %c0_i32_0 : i32, i32
  }
  func.func @transform_6(%arg0: i32) -> (i32, i32) {
    %c0_i32 = arith.constant 0 : i32
    %c0_i32_0 = arith.constant 0 : i32
    %c0_i32_1 = arith.constant 0 : i32
    return %c0_i32, %c0_i32_0 : i32, i32
  }
}

module attributes {stable_mosaic.version = 14 : i64} {
  func.func @_stage_c(%arg0: i32, %arg1: memref<40xi32, #tpu.memory_space<smem>>, %arg2: memref<256x128xf32, #tpu.memory_space<vmem>>, %arg3: memref<1x256x128xbf16, #tpu.memory_space<vmem>>, %arg4: memref<1x128x256xbf16, #tpu.memory_space<vmem>>, %arg5: memref<256x128xf32, #tpu.memory_space<vmem>>) attributes {dimension_semantics = [#tpu.dimension_semantics<arbitrary>], iteration_bounds = array<i64: 40>, scalar_prefetch = 1 : i64, scratch_operands = 0 : i64, tpu.core_type = #tpu.core_type<tc>, window_params = [{transform_indices = @transform_0, window_bounds = array<i64: 256, 128>}, {transform_indices = @transform_1, window_bounds = array<i64: 1, 256, 128>}, {transform_indices = @transform_2, window_bounds = array<i64: 1, 128, 256>}, {transform_indices = @transform_3, window_bounds = array<i64: 256, 128>}]} {
    %get3A = arith.constant 0 : index
    %get3A_0 = arith.constant 0 : index
    %get3A_1 = vector.load %arg2[%get3A, %get3A_0] : memref<256x128xf32, #tpu.memory_space<vmem>>, vector<256x128xf32>
    %convert_element_type3A = arith.truncf %get3A_1 : vector<256x128xf32> to vector<256x128xbf16>
    %get3A_2 = arith.constant 0 : index
    %get3A_3 = arith.constant 0 : index
    %get3A_4 = arith.constant 0 : index
    %get3A_5 = vector.load %arg3[%get3A_2, %get3A_3, %get3A_4] : memref<1x256x128xbf16, #tpu.memory_space<vmem>>, vector<1x256x128xbf16>
    %get3A_6 = vector.shape_cast %get3A_5 : vector<1x256x128xbf16> to vector<256x128xbf16>
    %dot_general3A = arith.constant dense<0.000000e+00> : vector<256x256xf32>
    %dot_general3A_7 = tpu.matmul %convert_element_type3A, %get3A_6, %dot_general3A {dimension_numbers = #tpu.dot_dimension_numbers<[1], [1], [0], [0], [0, 0, 1, 0], [], []>, transpose_lhs_hint = false} : vector<256x128xbf16>, vector<256x128xbf16>, vector<256x256xf32> -> vector<256x256xf32>
    %logistic3A = arith.negf %dot_general3A_7 : vector<256x256xf32>
    %logistic3A_8 = math.exp %logistic3A : vector<256x256xf32>
    %logistic3A_9 = arith.constant 1.000000e+00 : f32
    %logistic3A_10 = vector.broadcast %logistic3A_9 : f32 to vector<256x256xf32>
    %logistic3A_11 = arith.addf %logistic3A_10, %logistic3A_8 : vector<256x256xf32>
    %logistic3A_12 = arith.divf %logistic3A_10, %logistic3A_11 : vector<256x256xf32>
    %mul3A = arith.mulf %dot_general3A_7, %logistic3A_12 : vector<256x256xf32>
    %convert_element_type3A_13 = arith.truncf %mul3A : vector<256x256xf32> to vector<256x256xbf16>
    %get3A_14 = arith.constant 0 : index
    %get3A_15 = arith.constant 0 : index
    %get3A_16 = arith.constant 0 : index
    %get3A_17 = vector.load %arg4[%get3A_14, %get3A_15, %get3A_16] : memref<1x128x256xbf16, #tpu.memory_space<vmem>>, vector<1x128x256xbf16>
    %get3A_18 = vector.shape_cast %get3A_17 : vector<1x128x256xbf16> to vector<128x256xbf16>
    %dot_general3A_19 = arith.constant dense<0.000000e+00> : vector<256x128xf32>
    %dot_general3A_20 = tpu.matmul %convert_element_type3A_13, %get3A_18, %dot_general3A_19 {dimension_numbers = #tpu.dot_dimension_numbers<[1], [1], [0], [0], [0, 0, 1, 0], [], []>, transpose_lhs_hint = false} : vector<256x256xbf16>, vector<128x256xbf16>, vector<256x128xf32> -> vector<256x128xf32>
    %swap3A = arith.constant 0 : index
    %swap3A_21 = arith.constant 0 : index
    %swap3A_22 = vector.load %arg5[%swap3A, %swap3A_21] : memref<256x128xf32, #tpu.memory_space<vmem>>, vector<256x128xf32>
    tpu.vector_store %arg5[%swap3A, %swap3A_21], %dot_general3A_20 {strides = array<i32>} : memref<256x128xf32, #tpu.memory_space<vmem>>, vector<256x128xf32>,
    return
  }
  func.func @transform_0(%arg0: i32, %arg1: memref<40xi32, #tpu.memory_space<smem>>) -> (i32, i32) {
    %c0_i32 = arith.constant 0 : i32
    %c0_i32_0 = arith.constant 0 : i32
    return %arg0, %c0_i32 : i32, i32
  }
  func.func @transform_1(%arg0: i32, %arg1: memref<40xi32, #tpu.memory_space<smem>>) -> (i32, i32, i32) {
    %get3A = arith.index_cast %arg0 : i32 to index
    %get3A_0 = memref.load %arg1[%get3A] : memref<40xi32, #tpu.memory_space<smem>>
    %c0_i32 = arith.constant 0 : i32
    %c0_i32_1 = arith.constant 0 : i32
    %c0_i32_2 = arith.constant 0 : i32
    return %get3A_0, %c0_i32, %c0_i32_1 : i32, i32, i32
  }
  func.func @transform_2(%arg0: i32, %arg1: memref<40xi32, #tpu.memory_space<smem>>) -> (i32, i32, i32) {
    %get3A = arith.index_cast %arg0 : i32 to index
    %get3A_0 = memref.load %arg1[%get3A] : memref<40xi32, #tpu.memory_space<smem>>
    %c0_i32 = arith.constant 0 : i32
    %c0_i32_1 = arith.constant 0 : i32
    %c0_i32_2 = arith.constant 0 : i32
    return %get3A_0, %c0_i32, %c0_i32_1 : i32, i32, i32
  }
  func.func @transform_3(%arg0: i32, %arg1: memref<40xi32, #tpu.memory_space<smem>>) -> (i32, i32) {
    %c0_i32 = arith.constant 0 : i32
    %c0_i32_0 = arith.constant 0 : i32
    return %arg0, %c0_i32 : i32, i32
  }
}

module attributes {stable_mosaic.version = 14 : i64} {
  func.func @_stage_e(%arg0: i32, %arg1: memref<512x128xf32, #tpu.memory_space<vmem>>, %arg2: memref<512x128xf32, #tpu.memory_space<vmem>>, %arg3: memref<512x128xf32, #tpu.memory_space<vmem>>, %arg4: memref<512x1xf32, #tpu.memory_space<vmem>>, %arg5: memref<512x1xf32, #tpu.memory_space<vmem>>, %arg6: memref<512x1xf32, #tpu.memory_space<vmem>>, %arg7: memref<128x2048xbf16, #tpu.memory_space<vmem>>, %arg8: memref<1x2048xf32, #tpu.memory_space<vmem>>, %arg9: memref<1x1xf32, #tpu.memory_space<vmem>>, %arg10: memref<512x2048xf32, #tpu.memory_space<vmem>>, %arg11: memref<512x1xf32, #tpu.memory_space<vmem>>, %arg12: memref<512x128xf32, #tpu.memory_space<vmem>>) attributes {dimension_semantics = [#tpu.dimension_semantics<arbitrary>], iteration_bounds = array<i64: 8>, scalar_prefetch = 0 : i64, scratch_operands = 0 : i64, tpu.core_type = #tpu.core_type<tc>, window_params = [{transform_indices = @transform_0, window_bounds = array<i64: 512, 128>}, {transform_indices = @transform_1, window_bounds = array<i64: 512, 128>}, {transform_indices = @transform_2, window_bounds = array<i64: 512, 128>}, {transform_indices = @transform_3, window_bounds = array<i64: 512, 1>}, {transform_indices = @transform_4, window_bounds = array<i64: 512, 1>}, {transform_indices = @transform_5, window_bounds = array<i64: 512, 1>}, {pipeline_mode = #tpu.pipeline_mode<synchronous>, transform_indices = @transform_6, window_bounds = array<i64: 128, 2048>}, {pipeline_mode = #tpu.pipeline_mode<synchronous>, transform_indices = @transform_7, window_bounds = array<i64: 1, 2048>}, {pipeline_mode = #tpu.pipeline_mode<synchronous>, transform_indices = @transform_8, window_bounds = array<i64: 1, 1>}, {transform_indices = @transform_9, window_bounds = array<i64: 512, 2048>}, {transform_indices = @transform_10, window_bounds = array<i64: 512, 1>}, {transform_indices = @transform_11, window_bounds = array<i64: 512, 128>}]} {
    %get3A = arith.constant 0 : index
    %get3A_0 = arith.constant 0 : index
    %get3A_1 = vector.load %arg1[%get3A, %get3A_0] : memref<512x128xf32, #tpu.memory_space<vmem>>, vector<512x128xf32>
    %get3A_2 = arith.constant 0 : index
    %get3A_3 = arith.constant 0 : index
    %get3A_4 = vector.load %arg4[%get3A_2, %get3A_3] : memref<512x1xf32, #tpu.memory_space<vmem>>, vector<512x1xf32>
    %get3A_5 = arith.constant 0 : index
    %get3A_6 = arith.constant 0 : index
    %get3A_7 = vector.load %arg2[%get3A_5, %get3A_6] : memref<512x128xf32, #tpu.memory_space<vmem>>, vector<512x128xf32>
    %mul3A = vector.broadcast %get3A_4 : vector<512x1xf32> to vector<512x128xf32>
    %mul3A_8 = arith.mulf %mul3A, %get3A_7 : vector<512x128xf32>
    %get3A_9 = arith.constant 0 : index
    %get3A_10 = arith.constant 0 : index
    %get3A_11 = vector.load %arg5[%get3A_9, %get3A_10] : memref<512x1xf32, #tpu.memory_space<vmem>>, vector<512x1xf32>
    %get3A_12 = arith.constant 0 : index
    %get3A_13 = arith.constant 0 : index
    %get3A_14 = vector.load %arg3[%get3A_12, %get3A_13] : memref<512x128xf32, #tpu.memory_space<vmem>>, vector<512x128xf32>
    %mul3A_15 = vector.broadcast %get3A_11 : vector<512x1xf32> to vector<512x128xf32>
    %mul3A_16 = arith.mulf %mul3A_15, %get3A_14 : vector<512x128xf32>
    %add3A = arith.addf %mul3A_8, %mul3A_16 : vector<512x128xf32>
    %get3A_17 = arith.constant 0 : index
    %get3A_18 = arith.constant 0 : index
    %get3A_19 = vector.load %arg6[%get3A_17, %get3A_18] : memref<512x1xf32, #tpu.memory_space<vmem>>, vector<512x1xf32>
    %mul3A_20 = vector.broadcast %get3A_19 : vector<512x1xf32> to vector<512x128xf32>
    %mul3A_21 = arith.mulf %add3A, %mul3A_20 : vector<512x128xf32>
    %sub3A = arith.constant 1.000000e+00 : f32
    %sub3A_22 = vector.broadcast %sub3A : f32 to vector<512x1xf32>
    %sub3A_23 = arith.subf %sub3A_22, %get3A_19 : vector<512x1xf32>
    %mul3A_24 = vector.broadcast %sub3A_23 : vector<512x1xf32> to vector<512x128xf32>
    %mul3A_25 = arith.mulf %get3A_1, %mul3A_24 : vector<512x128xf32>
    %add3A_26 = arith.addf %mul3A_21, %mul3A_25 : vector<512x128xf32>
    %swap3A = arith.constant 0 : index
    %swap3A_27 = arith.constant 0 : index
    %swap3A_28 = vector.load %arg12[%swap3A, %swap3A_27] : memref<512x128xf32, #tpu.memory_space<vmem>>, vector<512x128xf32>
    tpu.vector_store %arg12[%swap3A, %swap3A_27], %add3A_26 {strides = array<i32>} : memref<512x128xf32, #tpu.memory_space<vmem>>, vector<512x128xf32>,
    %convert_element_type3A = arith.truncf %add3A_26 : vector<512x128xf32> to vector<512x128xbf16>
    %get3A_29 = arith.constant 0 : index
    %get3A_30 = arith.constant 0 : index
    %get3A_31 = vector.load %arg7[%get3A_29, %get3A_30] : memref<128x2048xbf16, #tpu.memory_space<vmem>>, vector<128x2048xbf16>
    %dot_general3A = arith.constant dense<0.000000e+00> : vector<512x2048xf32>
    %dot_general3A_32 = tpu.matmul %convert_element_type3A, %get3A_31, %dot_general3A {dimension_numbers = #tpu.dot_dimension_numbers<[1], [0], [0], [1], [0, 0, 1, 1], [], []>, transpose_lhs_hint = false} : vector<512x128xbf16>, vector<128x2048xbf16>, vector<512x2048xf32> -> vector<512x2048xf32>
    %swap3A_33 = arith.constant 0 : index
    %swap3A_34 = arith.constant 0 : index
    %swap3A_35 = vector.load %arg10[%swap3A_33, %swap3A_34] : memref<512x2048xf32, #tpu.memory_space<vmem>>, vector<512x2048xf32>
    tpu.vector_store %arg10[%swap3A_33, %swap3A_34], %dot_general3A_32 {strides = array<i32>} : memref<512x2048xf32, #tpu.memory_space<vmem>>, vector<512x2048xf32>,
    %get3A_36 = arith.constant 0 : index
    %get3A_37 = arith.constant 0 : index
    %get3A_38 = vector.load %arg7[%get3A_36, %get3A_37] : memref<128x2048xbf16, #tpu.memory_space<vmem>>, vector<128x2048xbf16>
    %convert_element_type3A_39 = arith.extf %get3A_38 : vector<128x2048xbf16> to vector<128x2048xf32>
    %get3A_40 = arith.constant 0 : index
    %get3A_41 = arith.constant 0 : index
    %get3A_42 = vector.load %arg8[%get3A_40, %get3A_41] : memref<1x2048xf32, #tpu.memory_space<vmem>>, vector<1x2048xf32>
    %mul3A_43 = vector.broadcast %get3A_42 : vector<1x2048xf32> to vector<128x2048xf32>
    %mul3A_44 = arith.mulf %convert_element_type3A_39, %mul3A_43 : vector<128x2048xf32>
    %reduce_sum3A = arith.constant dense<0.000000e+00> : vector<128xf32>
    %reduce_sum3A_45 = vector.multi_reduction <add>, %mul3A_44, %reduce_sum3A [1] : vector<128x2048xf32> to vector<128xf32>
    %broadcast_in_dim3A = vector.shape_cast %reduce_sum3A_45 : vector<128xf32> to vector<128x1xf32>
    %dot_general3A_46 = arith.constant dense<0.000000e+00> : vector<512x1xf32>
    %dot_general3A_47 = tpu.matmul %add3A_26, %broadcast_in_dim3A, %dot_general3A_46 {dimension_numbers = #tpu.dot_dimension_numbers<[1], [0], [0], [1], [0, 0, 1, 1], [], []>, transpose_lhs_hint = false} : vector<512x128xf32>, vector<128x1xf32>, vector<512x1xf32> -> vector<512x1xf32>
    %get3A_48 = arith.constant 0 : index
    %get3A_49 = arith.constant 0 : index
    %get3A_50 = vector.load %arg9[%get3A_48, %get3A_49] : memref<1x1xf32, #tpu.memory_space<vmem>>, vector<1x1xf32>
    %get3A_51 = vector.extract %get3A_50[0, 0] : f32 from vector<1x1xf32>
    %add3A_52 = vector.broadcast %get3A_51 : f32 to vector<512x1xf32>
    %add3A_53 = arith.addf %dot_general3A_47, %add3A_52 : vector<512x1xf32>
    %logistic3A = arith.negf %add3A_53 : vector<512x1xf32>
    %logistic3A_54 = math.exp %logistic3A : vector<512x1xf32>
    %logistic3A_55 = arith.constant 1.000000e+00 : f32
    %logistic3A_56 = vector.broadcast %logistic3A_55 : f32 to vector<512x1xf32>
    %logistic3A_57 = arith.addf %logistic3A_56, %logistic3A_54 : vector<512x1xf32>
    %logistic3A_58 = arith.divf %logistic3A_56, %logistic3A_57 : vector<512x1xf32>
    %swap3A_59 = arith.constant 0 : index
    %swap3A_60 = arith.constant 0 : index
    %swap3A_61 = vector.load %arg11[%swap3A_59, %swap3A_60] : memref<512x1xf32, #tpu.memory_space<vmem>>, vector<512x1xf32>
    tpu.vector_store %arg11[%swap3A_59, %swap3A_60], %logistic3A_58 {strides = array<i32>} : memref<512x1xf32, #tpu.memory_space<vmem>>, vector<512x1xf32>,
    return
  }
  func.func @transform_0(%arg0: i32) -> (i32, i32) {
    %c0_i32 = arith.constant 0 : i32
    %c0_i32_0 = arith.constant 0 : i32
    return %arg0, %c0_i32 : i32, i32
  }
  func.func @transform_1(%arg0: i32) -> (i32, i32) {
    %c0_i32 = arith.constant 0 : i32
    %c0_i32_0 = arith.constant 0 : i32
    return %arg0, %c0_i32 : i32, i32
  }
  func.func @transform_2(%arg0: i32) -> (i32, i32) {
    %c0_i32 = arith.constant 0 : i32
    %c0_i32_0 = arith.constant 0 : i32
    return %arg0, %c0_i32 : i32, i32
  }
  func.func @transform_3(%arg0: i32) -> (i32, i32) {
    %c0_i32 = arith.constant 0 : i32
    %c0_i32_0 = arith.constant 0 : i32
    return %arg0, %c0_i32 : i32, i32
  }
  func.func @transform_4(%arg0: i32) -> (i32, i32) {
    %c0_i32 = arith.constant 0 : i32
    %c0_i32_0 = arith.constant 0 : i32
    return %arg0, %c0_i32 : i32, i32
  }
  func.func @transform_5(%arg0: i32) -> (i32, i32) {
    %c0_i32 = arith.constant 0 : i32
    %c0_i32_0 = arith.constant 0 : i32
    return %arg0, %c0_i32 : i32, i32
  }
  func.func @transform_6(%arg0: i32) -> (i32, i32) {
    %c0_i32 = arith.constant 0 : i32
    %c0_i32_0 = arith.constant 0 : i32
    %c0_i32_1 = arith.constant 0 : i32
    return %c0_i32, %c0_i32_0 : i32, i32
  }
  func.func @transform_7(%arg0: i32) -> (i32, i32) {
    %c0_i32 = arith.constant 0 : i32
    %c0_i32_0 = arith.constant 0 : i32
    %c0_i32_1 = arith.constant 0 : i32
    return %c0_i32, %c0_i32_0 : i32, i32
  }
  func.func @transform_8(%arg0: i32) -> (i32, i32) {
    %c0_i32 = arith.constant 0 : i32
    %c0_i32_0 = arith.constant 0 : i32
    %c0_i32_1 = arith.constant 0 : i32
    return %c0_i32, %c0_i32_0 : i32, i32
  }
  func.func @transform_9(%arg0: i32) -> (i32, i32) {
    %c0_i32 = arith.constant 0 : i32
    %c0_i32_0 = arith.constant 0 : i32
    return %arg0, %c0_i32 : i32, i32
  }
  func.func @transform_10(%arg0: i32) -> (i32, i32) {
    %c0_i32 = arith.constant 0 : i32
    %c0_i32_0 = arith.constant 0 : i32
    return %arg0, %c0_i32 : i32, i32
  }
  func.func @transform_11(%arg0: i32) -> (i32, i32) {
    %c0_i32 = arith.constant 0 : i32
    %c0_i32_0 = arith.constant 0 : i32
    return %arg0, %c0_i32 : i32, i32
  }
}

</mosaic_0001>

<sc_bundles>
// kernel: kernel.11.cloned.1.call-start
scs
__scs_entry_jumppad:
0x0: {  	(pc) =	sbr.rel $0x88, $3  }
0x1: {  	(tag) =	ssettag $0x0;
	lr =	simm.s32 $0x1  }
0x2: {  	[smem:$0x3F99] =	sst lr;
	_ =	strace $0xD0000000  }
0x3: {  	_ = 	snop  }
0x4: {  	_ = 	snop  }
0x5: {  	_ = 	snop  }
0x6: {  	_ = 	snop  }
0x7: {  	_ = 	snop  }
__scs_overlays_trampoline_lowered:
0x8: {  	[smem:$0x3FA8] =	sst s0  }
0x9: {  	[smem:$0x3FA9] =	sst s1  }
0xa: {  	[smem:$0x3FAA] =	sst s2  }
0xb: {  	[smem:$0x3FAB] =	sst s3  }
0xc: {  	[smem:$0x3FAC] =	sst s4  }
0xd: {  	[smem:$0x3FAD] =	sst s5  }
0xe: {  	[smem:$0x3FAE] =	sst s6  }
0xf: {  	[smem:$0x3FAF] =	sst s7  }
0x10: {  	[smem:$0x3FB0] =	sst s8  }
0x11: {  	[smem:$0x3FB1] =	sst s9;
	s0 =	simm.s32 @!p0 $0x0  }
0x12: {  	s1 =	sld [smem:$0x3F97];
	s0 =	simm.s32 @p0 $0x1  }
0x13: {  	[smem:$0x3FB2] =	sst s0;
	s0 =	simm.s32 @!p1 $0x0  }
0x14: {  	s2 =	sld [smem:$0x3F96];
	s0 =	simm.s32 @p1 $0x1  }
0x15: {  	[smem:$0x3FB3] =	sst s0;
	s0 =	simm.s32 @!p2 $0x0  }
0x16: {  	s3 =	sld [smem:$0x3FDB];
	s0 =	simm.s32 @p2 $0x1  }
0x17: {  	s4 =	simm.s32 $0x1BF5;
	[smem:$0x3FB5] =	sst s0  }
0x18: {  	s0 =	sld [smem:$0x3F98];
	_ =	swait.ge [sflag:s4], $0x0  }
0x19: {  	s7 =	sld [smem:$0x3F99]  }
0x1a: {  	s8 =	sadd.s32 $0xFFFFE003, lr  }
0x1b: {  	s9 =	sadd.s32 $0xFFFFFEF7, lr;
	s5 =	simm.s32 $0xFFFFFFFF;
	p2 =	slt.u32 s8, $0xFFFFF086  }
0x1c: {  	p1 =	slt.u32 s9, $0xF7A;
	s5 =	simm.s32 @!p2 $0x0  }
0x1d: {  	s5 =	simm.s32 @p1 $0x1;
	p0 =	seq.s32 s7, s2  }
0x1e: {  	s7 =	smul.u32 @!p0 $0xF7A, s2;
	p2 =	seq.s32 @!p0 s5, $0x0  }
0x1f: {  	s9 =	smul.u32 $0xF7A, s1;
	s8 =	simm.s32 @!p0 $0x1BF5;
	p2 =	por !p2, p0  }
0x20: {  	[sflag:s8] =	ssyncset.s32 @!p0 $0xFFFFF086;
	s6 =	sadd.s32 @!p0 s3, s7;
	s7 =	simm.s32 @!p0 $0x108  }
0x21: {  	s3 =	sadd.s32 s3, s9;
	s6 =	sadd.s32 @!p0 $0x88, s6;
	s7 =	simm.s32 @p2 $0x1082  }
0x22: {  	[simem:s7], [sflag:s8] =	dma.local @!p0 [hbm:s6], $0xF7A  }
0x23: {  	s9 =	sor.u32 $0xD0000000, s2;
	s6 =	simm.s32 $0x108;
	_ =	swait.ge @!p0 [sflag:s8], $0x0  }
0x24: {  	s3 =	sadd.s32 $0x88, s3;
	s6 =	simm.s32 @!p1 $0x1082;
	[sflag:s4] =	ssyncset.s32 $0xFFFFF086  }
0x25: {  	[simem:s6], [sflag:s4] =	dma.local [hbm:s3], $0xF7A  }
0x26: {  	[smem:$0x3F99] =	sst s1;
	(tag) =	ssettag s2;
	_ =	strace s9  }
0x27: {  	s1 =	sld [smem:$0x3FA9]  }
0x28: {  	s2 =	sld [smem:$0x3FAA]  }
0x29: {  	s4 =	sld [smem:$0x3FAC]  }
0x2a: {  	p0 =	seq.s32 s5, $0x0;
	s5 =	sld [smem:$0x3FAD]  }
0x2b: {  	s6 =	sld [smem:$0x3FAE]  }
0x2c: {  	s7 =	sld [smem:$0x3FAF]  }
0x2d: {  	s3 =	simm.s32 $0x108;
	s8 =	sld [smem:$0x3FB0]  }
0x2e: {  	s3 =	simm.s32 @!p0 $0x1082;
	s9 =	sld [smem:$0x3FB1]  }
0x2f: {  	lr =	sadd.s32 s0, s3;
	s0 =	sld [smem:$0x3FA8]  }
0x30: {  	s3 =	sld [smem:$0x3FAB]  }
0x31: {  	[smem:$0x3FB4] =	sst s10  }
0x32: {  	s10 =	sld [smem:$0x3FB2];
	_ =	sdelay $0x3  }
0x33: {  	p0 =	seq.s32 s10, $0x1;
	s10 =	sld [smem:$0x3FB4];
	_ =	sdelay $0x3  }
0x34: {  	[smem:$0x3FB4] =	sst s10  }
0x35: {  	s10 =	sld [smem:$0x3FB3];
	_ =	sdelay $0x3  }
0x36: {  	p1 =	seq.s32 s10, $0x1;
	s10 =	sld [smem:$0x3FB4];
	_ =	sdelay $0x3  }
0x37: {  	[smem:$0x3FB4] =	sst s10  }
0x38: {  	s10 =	sld [smem:$0x3FB5]  }
0x39: {  	_ = 	snop;
	(pc) =	sbr.ind lr, $3  }
0x3a: {  	_ = 	snop  }
0x3b: {  	_ = 	snop  }
0x3c: {  	p2 =	seq.s32 s10, $0x1;
	s10 =	sld [smem:$0x3FB4]  }
0x3d: {  	_ =	shalt  }
0x3e: {  	_ =	shalt  }
0x3f: {  	_ =	shalt  }
0x40: {  	_ =	shalt  }
0x41: {  	_ =	shalt  }
0x42: {  	_ =	shalt  }
0x43: {  	_ =	shalt  }
0x44: {  	_ =	shalt  }
0x45: {  	_ =	shalt  }
0x46: {  	_ =	shalt  }
0x47: {  	_ =	shalt  }
0x48: {  	_ =	shalt  }
0x49: {  	_ =	shalt  }
0x4a: {  	_ =	shalt  }
0x4b: {  	_ =	shalt  }
0x4c: {  	_ =	shalt  }
0x4d: {  	_ =	shalt  }
0x4e: {  	_ =	shalt  }
0x4f: {  	_ =	shalt  }
0x50: {  	_ =	shalt  }
0x51: {  	_ =	shalt  }
0x52: {  	_ =	shalt  }
0x53: {  	_ =	shalt  }
0x54: {  	_ =	shalt  }
0x55: {  	_ =	shalt  }
0x56: {  	_ =	shalt  }
0x57: {  	_ =	shalt  }
0x58: {  	_ =	shalt  }
0x59: {  	_ =	shalt  }
0x5a: {  	_ =	shalt  }
0x5b: {  	_ =	shalt  }
0x5c: {  	_ =	shalt  }
0x5d: {  	_ =	shalt  }
0x5e: {  	_ =	shalt  }
0x5f: {  	_ =	shalt  }
0x60: {  	_ =	shalt  }
0x61: {  	_ =	shalt  }
0x62: {  	_ =	shalt  }
0x63: {  	_ =	shalt  }
0x64: {  	_ =	shalt  }
0x65: {  	_ =	shalt  }
0x66: {  	_ =	shalt  }
0x67: {  	_ =	shalt  }
0x68: {  	_ =	shalt  }
0x69: {  	_ =	shalt  }
0x6a: {  	_ =	shalt  }
0x6b: {  	_ =	shalt  }
0x6c: {  	_ =	shalt  }
0x6d: {  	_ =	shalt  }
0x6e: {  	_ =	shalt  }
0x6f: {  	_ =	shalt  }
0x70: {  	_ =	shalt  }
0x71: {  	_ =	shalt  }
0x72: {  	_ =	shalt  }
0x73: {  	_ =	shalt  }
0x74: {  	_ =	shalt  }
0x75: {  	_ =	shalt  }
0x76: {  	_ =	shalt  }
0x77: {  	_ =	shalt  }
0x78: {  	_ =	shalt  }
0x79: {  	_ =	shalt  }
0x7a: {  	_ =	shalt  }
0x7b: {  	_ =	shalt  }
0x7c: {  	_ =	shalt  }
0x7d: {  	_ =	shalt  }
0x7e: {  	_ =	shalt  }
0x7f: {  	_ =	shalt  }
0x80: {  	_ =	shalt  }
0x81: {  	_ =	shalt  }
0x82: {  	_ =	shalt  }
0x83: {  	_ =	shalt  }
0x84: {  	_ =	shalt  }
0x85: {  	_ =	shalt  }
0x86: {  	_ =	shalt  }
0x87: {  	_ =	shalt  }
.Lfunc_end0:
.L_simem_size_0:
called_computation.1_lowered:
.L_overlay_start_0:
0x88: {  	s2 =	sld [smem:$0x3FD9]  }
0x89: {  	s3 =	sld [smem:$0x3FFE];
	_ =	sdelay $0x1  }
0x8a: {  	s1 =	srdreg.scid  }
0x8b: {  	s0 =	sand.u32 $0x1, s1  }
0x8c: {  	s14 =	sshll.u32 s0, $0xA;
	s2 =	sadd.s32 s3, s2  }
0x8d: {  	s2 =	sadd.s32 s2, s14  }
0x8e: {  	[smem:$0x3FC0] =	sst s2  }
0x8f: {  	_ = 	snop  }
0x90: {  	s2 =	sld [smem:$0x3FD0];
	_ =	sdelay $0x2  }
0x91: {  	s15 =	simm.s32 $0xA;
	s4 =	simm.s32 $0x10  }
0x92: {  	[smem:s4], [sflag:s15] =	dma.local [hbm:s2], $0x1  }
0x93: {  	_ =	swait.eq [sflag:s15], $0x1  }
0x94: {  	s16 =	sld [smem:$0x10];
	[sflag:s15] =	ssyncset.done $0x0  }
0x95: {  	s17 =	sld [smem:$0x12];
	[sflag:s15] =	ssyncadd.s32 $0xFFFFFFFF  }
0x96: {  	s18 =	sld [smem:$0x14];
	(tm) =	ssettm $0x1  }
0x97: {  	s5 =	sld [smem:$0x3FFB];
	_ =	sdelay $0x3  }
0x98: {  	_ =	strace s5  }
0x99: {  	s5 =	sld [smem:$0x3FFC];
	_ =	sdelay $0x3  }
0x9a: {  	_ =	strace s5  }
0x9b: {  	s5 =	sld [smem:$0x3FFD];
	_ =	sdelay $0x3  }
0x9c: {  	_ =	strace s5  }
0x9d: {  	_ =	strace $0x8FFFFFFF  }
0x9e: {  	s19 =	sld [smem:$0x3FDB];
	_ =	sdelay $0x1  }
0x9f: {  	s6 =	simm.s32 $_scs_section_size  }
0xa0: {  	s7 =	simm.s32 $_size__tile_overlayer_lowered;
	s8 =	simm.s32 $_tile_overlayer_lowered  }
0xa1: {  	s22 =	simm.s32 $0x1BFF;
	s21 =	sshll.u32 s8, $0x1;
	s5 =	sadd.s32 s6, s19  }
0xa2: {  	s9 =	simm.s32 $0x0;
	s20 =	sshll.u32 s7, $0x1;
	s7 =	sadd.s32 s21, s5  }
0xa3: {  	[timem:s9], [sflag:s22] =	dma.local [hbm:s7], s20  }
0xa4: {  	_ =	swait.ge [sflag:s22], s20  }
0xa5: {  	s6 =	ssub.s32 $0x0, s20;
	[sflag:s22] =	ssyncset.done $0x0  }
0xa6: {  	[sflag:s22] =	ssyncadd.s32 s6;
	_ =	sdelay $0x1  }
0xa7: {  	s23 =	simm.s32 $0x1B8B  }
0xa8: {  	_ =	swait.ge [sflag:s23], $0x1  }
0xa9: {  	[sflag:s23] =	ssyncset.done $0x0  }
0xaa: {  	s25 =	simm.s32 $0x1B8E;
	s24 =	sld [smem:$0x3FFE];
	[sflag:s23] =	ssyncadd.s32 $0xFFFFFFFF  }
0xab: {  	s26 =	simm.s32 $execute0_lowered;
	[smem:$0x3FD2] =	sst s25  }
0xac: {  	s7 =	sshll.u32 s26, $0x1;
	_ =	strace $0x80000049;
	[dreg:$0x1] =	wrdreg $0xFFFFFFFF  }
0xad: {  	s28 =	simm.s32 $_size_execute0_lowered;
	s5 =	sadd.s32 s5, s7;
	[dreg:$0x0] =	wrdreg $0x0  }
0xae: {  	s7 =	sshll.u32 s28, $0x1;
	[dreg:$0x2] =	wrdreg s5  }
0xaf: {  	[dreg:$0x3] =	wrdreg s7  }
0xb0: {  	[dreg:$0x4] =	wrdreg $0xC0  }
0xb1: {  	_ =	task [dreg:s9], $0x5FFFF  }
0xb2: {  	[dreg:$0x1] =	wrdreg $0xFFFFFFFF  }
0xb3: {  	[dreg:$0x0] =	wrdreg $0x60  }
0xb4: {  	[dreg:$0x2] =	wrdreg s17  }
0xb5: {  	[dreg:$0x3] =	wrdreg s24  }
0xb6: {  	[dreg:$0x4] =	wrdreg s16  }
0xb7: {  	[dreg:$0x5] =	wrdreg s18  }
0xb8: {  	[dreg:$0x6] =	wrdreg $0x9  }
0xb9: {  	_ =	task.clear_ibuf [dreg:s9], $0x7FFFF;
	_ =	strace $0x90000049  }
0xba: {  	s29 =	simm.s32 $0x9;
	_ =	strace $0x8000004B  }
0xbb: {  	_ =	swait.ge [sflag:s29], $0x1  }
0xbc: {  	[sflag:s29] =	ssyncadd.s32 $0xFFFFFFFF  }
0xbd: {  	_ =	strace $0x9000004B  }
0xbe: {  	_ =	sfence  }
0xbf: {  	s30 =	sld [smem:$0x0];
	_ =	sdelay $0x2  }
0xc0: {  	s31 =	sshll.u32 s1, $0xD;
	s1 =	sshrl.u32 s1, $0x2  }
0xc1: {  	s3 =	sand.u32 $0x4000, s31;
	s1 =	sadd.s32 s1, s30  }
0xc2: {  	s0 =	sor.u32 s3, s0;
	s1 =	sshll.u32 s1, $0x11  }
0xc3: {  	s0 =	sor.u32 s1, s0  }
0xc4: {  	s0 =	sadd.s32 $0x8F2B, s0  }
0xc5: {  	[sflag:s0] =	ssyncadd.remote.s32 $0x1  }
0xc6: {  	_ =	sfence.sel $0xFFFF  }
0xc7: {  	[dreg:$0x0] =	wrdreg $0xFFFFFFFF;
	(pc) =	sbr.abs _section_cstart, $3  }
0xc8: {  	[dreg:$0x1] =	wrdreg $0xFFFFFFFF  }
0xc9: {  	_ =	task.clear_ibuf [dreg:s9], $0x2FFFF;
	_ =	strace $0x9FFFFFFF  }
0xca: {  	(tm) =	ssettm $0x7FFFFFFF  }
0xcb: {  	_ =	shalt  }
tec
execute0_lowered:
.L_overlay_start_1:
0x0: {  	(tag) =	ssettag $0x1  }
0x1: {  	s4 =	rddreg [dreg:$0x0]  }
0x2: {  	s13 =	rddreg [dreg:$0x1];
	s1 =	srdreg.scid  }
0x3: {  	s2 =	rddreg [dreg:$0x2];
	s0 =	stileid.u32;
	s12 =	sand.u32 $0x1, s1  }
0x4: {  	s14 =	rddreg [dreg:$0x3];
	s5 =	sshll.u32 s0, $0x8;
	s6 =	sshll.u32 s12, $0x7  }
0x5: {  	s3 =	simm.s32 $0x0;
	s1 =	rddreg [dreg:$0x4];
	s15 =	sor.u32 s6, s5  }
0x6: {  	[smem:$0x7FF] =	sst s3;
	s6 =	sshrl.u32 s15, $0x3  }
0x7: {  	_ =	strace $0x8000004A;
	s5 =	sadd.s32 s4, s6;
	s4 =	simm.s32 $0x3  }
0x8: {  	[tilespmem:s3], [sflag:$0x3] =	stream.linear.gather [hbm4b:s5+s3], $0x80, $0x38;
	[tilespmem:$0x8100] =	vst v63  }
0x9: {  	_ =	swait.ge [sflag:s4], $0x80  }
0xa: {  	s6 =	sadd.s32 s6, s13;
	[sflag:s4] =	ssyncset.done $0x0  }
0xb: {  	s7 =	simm.s32 $0x80;
	s6 =	sadd.s32 $0x1000, s6;
	[sflag:s4] =	ssyncadd.s32 $0xFFFFFF80  }
0xc: {  	[tilespmem:s7], [sflag:$0x3] =	stream.linear.gather [hbm4b:s6+s3], $0x80, $0x38;
	[tilespmem:$0x8100] =	vst v63  }
0xd: {  	_ =	swait.ge [sflag:s4], $0x80  }
0xe: {  	[sflag:s4] =	ssyncset.done $0x0  }
0xf: {  	s8 =	simm.s32 $0x100;
	[sflag:s4] =	ssyncadd.s32 $0xFFFFFF80  }
0x10: {  	[tilespmem:s8], [sflag:$0x1] =	stream.indirect.gather [hbm4b:s2+s7], $0x80, s3, s7, $0xb8;
	[tilespmem:$0x8100] =	vst v63  }
0x11: {  	s9 =	simm.s32 $0x4100;
	s10 =	simm.s32 $0x1  }
0x12: {  	[tilespmem:s9], [sflag:$0x2] =	stream.indirect.gather [hbm4b:s2+s7], $0x80, s7, s7, $0xb8;
	[tilespmem:$0x8100] =	vst v63  }
0x13: {  	_ =	swait.ge [sflag:s10], $0x4000  }
0x14: {  	[sflag:s10] =	ssyncset.done $0x0  }
0x15: {  	s11 =	simm.s32 $0x2;
	s16 =	ssub.s32 $0x2, s12;
	[sflag:s10] =	ssyncadd.s32 $0xFFFFC000  }
0x16: {  	s31 =	sshrl.u32 s16, $0x1;
	s15 =	sshll.u32 s15, $0x4;
	_ =	swait.ge [sflag:s11], $0x4000  }
0x17: {  	s12 =	sadd.s32 s14, s15;
	s14 =	ssub.s32 s16, s31;
	[sflag:s11] =	ssyncset.done $0x0  }
0x18: {  	s14 =	smax.u32 s14, $0x1;
	[sflag:s11] =	ssyncadd.s32 $0xFFFFC000  }
0x19: {  	[hbm4b:s12+s3] =	stream.linear.scatter [tilespmem:s8], [sflag:$0x3], $0x4000, $0x38;
	[tilespmem:$0x8100] =	vst v63  }
0x1a: {  	p0 =	sne.s32 s14, $0x1;
	_ =	swait.ge [sflag:s4], $0x4000  }
.Ltmp0:
0x1b: {  	s13 =	sadd.s32 s15, s13;
	[sflag:s4] =	ssyncset.done $0x0;
	(pc) =	sbr.rel @!p0 .LBB2_2-.Ltmp0, $4  }
0x1c: {  	s13 =	sadd.s32 $0x1200, s13;
	[sflag:s4] =	ssyncadd.s32 $0xFFFFC000  }
0x1d: {  	[hbm4b:s13+s3] =	stream.linear.scatter [tilespmem:s9], [sflag:$0x3], $0x4000, $0x38;
	[tilespmem:$0x8100] =	vst v63  }
0x1e: {  	_ =	swait.ge [sflag:s4], $0x4000  }
0x1f: {  	s14 =	sadd.s32 $0xFFFFFFFF, s14;
	[sflag:s4] =	ssyncset.done $0x0  }
.LBB2_1:
0x20: {  	p0 =	sne.s32 s14, $0x1;
	s14 =	sadd.s32 $0xFFFFFFFF, s14;
	[sflag:s4] =	ssyncadd.s32 $0xFFFFC000  }
0x21: {  	[tilespmem:s3], [sflag:$0x3] =	stream.linear.gather [hbm4b:s5+s3], $0x80, $0x38;
	[tilespmem:$0x8100] =	vst v63  }
0x22: {  	_ =	swait.ge [sflag:s4], $0x80  }
0x23: {  	[sflag:s4] =	ssyncset.done $0x0  }
0x24: {  	[sflag:s4] =	ssyncadd.s32 $0xFFFFFF80  }
0x25: {  	[tilespmem:s7], [sflag:$0x3] =	stream.linear.gather [hbm4b:s6+s3], $0x80, $0x38;
	[tilespmem:$0x8100] =	vst v63  }
0x26: {  	_ =	swait.ge [sflag:s4], $0x80  }
0x27: {  	[sflag:s4] =	ssyncset.done $0x0  }
0x28: {  	[sflag:s4] =	ssyncadd.s32 $0xFFFFFF80  }
0x29: {  	[tilespmem:s8], [sflag:$0x1] =	stream.indirect.gather [hbm4b:s2+s7], $0x80, s3, s7, $0xb8;
	[tilespmem:$0x8100] =	vst v63  }
0x2a: {  	_ = 	snop  }
0x2b: {  	[tilespmem:s9], [sflag:$0x2] =	stream.indirect.gather [hbm4b:s2+s7], $0x80, s7, s7, $0xb8;
	[tilespmem:$0x8100] =	vst v63  }
0x2c: {  	_ =	swait.ge [sflag:s10], $0x4000  }
0x2d: {  	[sflag:s10] =	ssyncset.done $0x0  }
0x2e: {  	[sflag:s10] =	ssyncadd.s32 $0xFFFFC000  }
0x2f: {  	_ =	swait.ge [sflag:s11], $0x4000  }
0x30: {  	[sflag:s11] =	ssyncset.done $0x0  }
0x31: {  	[sflag:s11] =	ssyncadd.s32 $0xFFFFC000  }
0x32: {  	[hbm4b:s12+s3] =	stream.linear.scatter [tilespmem:s8], [sflag:$0x3], $0x4000, $0x38;
	[tilespmem:$0x8100] =	vst v63  }
0x33: {  	_ =	swait.ge [sflag:s4], $0x4000  }
.Ltmp1:
0x34: {  	[sflag:s4] =	ssyncset.done $0x0;
	(pc) =	sbr.rel @p0 .LBB2_1-.Ltmp1, $4  }
0x35: {  	[sflag:s4] =	ssyncadd.s32 $0xFFFFC000  }
0x36: {  	[hbm4b:s13+s3] =	stream.linear.scatter [tilespmem:s9], [sflag:$0x3], $0x4000, $0x38;
	[tilespmem:$0x8100] =	vst v63  }
0x37: {  	_ =	swait.ge [sflag:s4], $0x4000  }
0x38: {  	[sflag:s4] =	ssyncset.done $0x0  }
.LBB2_2:
0x39: {  	[sflag:s4] =	ssyncadd.s32 $0xFFFFC000  }
0x3a: {  	_ =	sfence.sel $0x180000  }
0x3b: {  	[bflag:$0x0] =	sbarrier.arrive $0xFFFF  }
0x3c: {  	p0 =	sne.s32 s0, $0x0;
	_ =	strace $0x9000004A  }
0x3d: {  	s0 =	sadd.s32 @!p0 $0x100000, s1;
	[bflag:$0x2] =	sbarrier.arrive $0xFFFF  }
0x3e: {  	[sflag:s0] =	ssyncadd.tile.s32 @!p0 $0x1;
	_ =	shalt  }
.Lfunc_end2:
_tile_overlayer_lowered:
.L_overlay_start_2:
0x3f: {  	(tag) =	ssettag $0x2  }
0x40: {  	s0 =	rddreg [dreg:$0x0];
	s2 =	stileid.u32  }
0x41: {  	s1 =	rddreg [dreg:$0x1];
	p0 =	sne.s32 s2, $0x0  }
0x42: {  	s3 =	rddreg [dreg:$0x2];
	[bflag:$0x3] =	sbarrier.arrive $0xFFFF;
	s2 =	simm.s32 @!p0 $0x1C03  }
0x43: {  	[timem:s3], [sflag:s2] =	dma.local @!p0 [hbm:s0], s1  }
0x44: {  	s0 =	simm.s32 @!p0 $0x3  }
0x45: {  	_ =	swait.ge @!p0 [sflag:s0], s1  }
0x46: {  	s1 =	ssub.s32 @!p0 $0x0, s1;
	[sflag:s0] =	ssyncset.done @!p0 $0x0  }
0x47: {  	[sflag:s0] =	ssyncadd.s32 @!p0 s1  }
0x48: {  	[bflag:$0x3] =	sbarrier.arrive $0xFFFF  }
0x49: {  	_ =	shalt  }

// kernel: kernel.8.cloned.1.call-start
scs
__scs_entry_jumppad:
0x0: {  	(pc) =	sbr.rel $0x88, $3  }
0x1: {  	(tag) =	ssettag $0x0;
	lr =	simm.s32 $0x1  }
0x2: {  	[smem:$0x3F99] =	sst lr;
	_ =	strace $0xD0000000  }
0x3: {  	_ = 	snop  }
0x4: {  	_ = 	snop  }
0x5: {  	_ = 	snop  }
0x6: {  	_ = 	snop  }
0x7: {  	_ = 	snop  }
__scs_overlays_trampoline_lowered:
0x8: {  	[smem:$0x3FA8] =	sst s0  }
0x9: {  	[smem:$0x3FA9] =	sst s1  }
0xa: {  	[smem:$0x3FAA] =	sst s2  }
0xb: {  	[smem:$0x3FAB] =	sst s3  }
0xc: {  	[smem:$0x3FAC] =	sst s4  }
0xd: {  	[smem:$0x3FAD] =	sst s5  }
0xe: {  	[smem:$0x3FAE] =	sst s6  }
0xf: {  	[smem:$0x3FAF] =	sst s7  }
0x10: {  	[smem:$0x3FB0] =	sst s8  }
0x11: {  	[smem:$0x3FB1] =	sst s9;
	s0 =	simm.s32 @!p0 $0x0  }
0x12: {  	s1 =	sld [smem:$0x3F97];
	s0 =	simm.s32 @p0 $0x1  }
0x13: {  	[smem:$0x3FB2] =	sst s0;
	s0 =	simm.s32 @!p1 $0x0  }
0x14: {  	s2 =	sld [smem:$0x3F96];
	s0 =	simm.s32 @p1 $0x1  }
0x15: {  	[smem:$0x3FB3] =	sst s0;
	s0 =	simm.s32 @!p2 $0x0  }
0x16: {  	s3 =	sld [smem:$0x3FDB];
	s0 =	simm.s32 @p2 $0x1  }
0x17: {  	s4 =	simm.s32 $0x1BF5;
	[smem:$0x3FB5] =	sst s0  }
0x18: {  	s0 =	sld [smem:$0x3F98];
	_ =	swait.ge [sflag:s4], $0x0  }
0x19: {  	s7 =	sld [smem:$0x3F99]  }
0x1a: {  	s8 =	sadd.s32 $0xFFFFE003, lr  }
0x1b: {  	s9 =	sadd.s32 $0xFFFFFEF7, lr;
	s5 =	simm.s32 $0xFFFFFFFF;
	p2 =	slt.u32 s8, $0xFFFFF086  }
0x1c: {  	p1 =	slt.u32 s9, $0xF7A;
	s5 =	simm.s32 @!p2 $0x0  }
0x1d: {  	s5 =	simm.s32 @p1 $0x1;
	p0 =	seq.s32 s7, s2  }
0x1e: {  	s7 =	smul.u32 @!p0 $0xF7A, s2;
	p2 =	seq.s32 @!p0 s5, $0x0  }
0x1f: {  	s9 =	smul.u32 $0xF7A, s1;
	s8 =	simm.s32 @!p0 $0x1BF5;
	p2 =	por !p2, p0  }
0x20: {  	[sflag:s8] =	ssyncset.s32 @!p0 $0xFFFFF086;
	s6 =	sadd.s32 @!p0 s3, s7;
	s7 =	simm.s32 @!p0 $0x108  }
0x21: {  	s3 =	sadd.s32 s3, s9;
	s6 =	sadd.s32 @!p0 $0x88, s6;
	s7 =	simm.s32 @p2 $0x1082  }
0x22: {  	[simem:s7], [sflag:s8] =	dma.local @!p0 [hbm:s6], $0xF7A  }
0x23: {  	s9 =	sor.u32 $0xD0000000, s2;
	s6 =	simm.s32 $0x108;
	_ =	swait.ge @!p0 [sflag:s8], $0x0  }
0x24: {  	s3 =	sadd.s32 $0x88, s3;
	s6 =	simm.s32 @!p1 $0x1082;
	[sflag:s4] =	ssyncset.s32 $0xFFFFF086  }
0x25: {  	[simem:s6], [sflag:s4] =	dma.local [hbm:s3], $0xF7A  }
0x26: {  	[smem:$0x3F99] =	sst s1;
	(tag) =	ssettag s2;
	_ =	strace s9  }
0x27: {  	s1 =	sld [smem:$0x3FA9]  }
0x28: {  	s2 =	sld [smem:$0x3FAA]  }
0x29: {  	s4 =	sld [smem:$0x3FAC]  }
0x2a: {  	p0 =	seq.s32 s5, $0x0;
	s5 =	sld [smem:$0x3FAD]  }
0x2b: {  	s6 =	sld [smem:$0x3FAE]  }
0x2c: {  	s7 =	sld [smem:$0x3FAF]  }
0x2d: {  	s3 =	simm.s32 $0x108;
	s8 =	sld [smem:$0x3FB0]  }
0x2e: {  	s3 =	simm.s32 @!p0 $0x1082;
	s9 =	sld [smem:$0x3FB1]  }
0x2f: {  	lr =	sadd.s32 s0, s3;
	s0 =	sld [smem:$0x3FA8]  }
0x30: {  	s3 =	sld [smem:$0x3FAB]  }
0x31: {  	[smem:$0x3FB4] =	sst s10  }
0x32: {  	s10 =	sld [smem:$0x3FB2];
	_ =	sdelay $0x3  }
0x33: {  	p0 =	seq.s32 s10, $0x1;
	s10 =	sld [smem:$0x3FB4];
	_ =	sdelay $0x3  }
0x34: {  	[smem:$0x3FB4] =	sst s10  }
0x35: {  	s10 =	sld [smem:$0x3FB3];
	_ =	sdelay $0x3  }
0x36: {  	p1 =	seq.s32 s10, $0x1;
	s10 =	sld [smem:$0x3FB4];
	_ =	sdelay $0x3  }
0x37: {  	[smem:$0x3FB4] =	sst s10  }
0x38: {  	s10 =	sld [smem:$0x3FB5]  }
0x39: {  	_ = 	snop;
	(pc) =	sbr.ind lr, $3  }
0x3a: {  	_ = 	snop  }
0x3b: {  	_ = 	snop  }
0x3c: {  	p2 =	seq.s32 s10, $0x1;
	s10 =	sld [smem:$0x3FB4]  }
0x3d: {  	_ =	shalt  }
0x3e: {  	_ =	shalt  }
0x3f: {  	_ =	shalt  }
0x40: {  	_ =	shalt  }
0x41: {  	_ =	shalt  }
0x42: {  	_ =	shalt  }
0x43: {  	_ =	shalt  }
0x44: {  	_ =	shalt  }
0x45: {  	_ =	shalt  }
0x46: {  	_ =	shalt  }
0x47: {  	_ =	shalt  }
0x48: {  	_ =	shalt  }
0x49: {  	_ =	shalt  }
0x4a: {  	_ =	shalt  }
0x4b: {  	_ =	shalt  }
0x4c: {  	_ =	shalt  }
0x4d: {  	_ =	shalt  }
0x4e: {  	_ =	shalt  }
0x4f: {  	_ =	shalt  }
0x50: {  	_ =	shalt  }
0x51: {  	_ =	shalt  }
0x52: {  	_ =	shalt  }
0x53: {  	_ =	shalt  }
0x54: {  	_ =	shalt  }
0x55: {  	_ =	shalt  }
0x56: {  	_ =	shalt  }
0x57: {  	_ =	shalt  }
0x58: {  	_ =	shalt  }
0x59: {  	_ =	shalt  }
0x5a: {  	_ =	shalt  }
0x5b: {  	_ =	shalt  }
0x5c: {  	_ =	shalt  }
0x5d: {  	_ =	shalt  }
0x5e: {  	_ =	shalt  }
0x5f: {  	_ =	shalt  }
0x60: {  	_ =	shalt  }
0x61: {  	_ =	shalt  }
0x62: {  	_ =	shalt  }
0x63: {  	_ =	shalt  }
0x64: {  	_ =	shalt  }
0x65: {  	_ =	shalt  }
0x66: {  	_ =	shalt  }
0x67: {  	_ =	shalt  }
0x68: {  	_ =	shalt  }
0x69: {  	_ =	shalt  }
0x6a: {  	_ =	shalt  }
0x6b: {  	_ =	shalt  }
0x6c: {  	_ =	shalt  }
0x6d: {  	_ =	shalt  }
0x6e: {  	_ =	shalt  }
0x6f: {  	_ =	shalt  }
0x70: {  	_ =	shalt  }
0x71: {  	_ =	shalt  }
0x72: {  	_ =	shalt  }
0x73: {  	_ =	shalt  }
0x74: {  	_ =	shalt  }
0x75: {  	_ =	shalt  }
0x76: {  	_ =	shalt  }
0x77: {  	_ =	shalt  }
0x78: {  	_ =	shalt  }
0x79: {  	_ =	shalt  }
0x7a: {  	_ =	shalt  }
0x7b: {  	_ =	shalt  }
0x7c: {  	_ =	shalt  }
0x7d: {  	_ =	shalt  }
0x7e: {  	_ =	shalt  }
0x7f: {  	_ =	shalt  }
0x80: {  	_ =	shalt  }
0x81: {  	_ =	shalt  }
0x82: {  	_ =	shalt  }
0x83: {  	_ =	shalt  }
0x84: {  	_ =	shalt  }
0x85: {  	_ =	shalt  }
0x86: {  	_ =	shalt  }
0x87: {  	_ =	shalt  }
.Lfunc_end0:
.L_simem_size_0:
called_computation_lowered:
.L_overlay_start_0:
0x88: {  	s2 =	sld [smem:$0x3FD9]  }
0x89: {  	s3 =	sld [smem:$0x3FFE];
	_ =	sdelay $0x1  }
0x8a: {  	s1 =	srdreg.scid  }
0x8b: {  	s0 =	sand.u32 $0x1, s1  }
0x8c: {  	s14 =	sshll.u32 s0, $0xA;
	s2 =	sadd.s32 s3, s2  }
0x8d: {  	s2 =	sadd.s32 s2, s14  }
0x8e: {  	[smem:$0x3FC0] =	sst s2  }
0x8f: {  	_ = 	snop  }
0x90: {  	s2 =	sld [smem:$0x3FD0];
	_ =	sdelay $0x2  }
0x91: {  	s15 =	simm.s32 $0xA;
	s4 =	simm.s32 $0x10  }
0x92: {  	[smem:s4], [sflag:s15] =	dma.local [hbm:s2], $0x1  }
0x93: {  	_ =	swait.eq [sflag:s15], $0x1  }
0x94: {  	s16 =	sld [smem:$0x10];
	[sflag:s15] =	ssyncset.done $0x0  }
0x95: {  	s17 =	sld [smem:$0x12];
	[sflag:s15] =	ssyncadd.s32 $0xFFFFFFFF  }
0x96: {  	s18 =	sld [smem:$0x13];
	(tm) =	ssettm $0x1  }
0x97: {  	s5 =	sld [smem:$0x3FFB];
	_ =	sdelay $0x3  }
0x98: {  	_ =	strace s5  }
0x99: {  	s5 =	sld [smem:$0x3FFC];
	_ =	sdelay $0x3  }
0x9a: {  	_ =	strace s5  }
0x9b: {  	s5 =	sld [smem:$0x3FFD];
	_ =	sdelay $0x3  }
0x9c: {  	_ =	strace s5  }
0x9d: {  	_ =	strace $0x8FFFFFFF  }
0x9e: {  	s19 =	sld [smem:$0x3FDB];
	_ =	sdelay $0x1  }
0x9f: {  	s6 =	simm.s32 $_scs_section_size  }
0xa0: {  	s7 =	simm.s32 $_size__tile_overlayer_lowered;
	s8 =	simm.s32 $_tile_overlayer_lowered  }
0xa1: {  	s22 =	simm.s32 $0x1BFF;
	s21 =	sshll.u32 s8, $0x1;
	s5 =	sadd.s32 s6, s19  }
0xa2: {  	s9 =	simm.s32 $0x0;
	s20 =	sshll.u32 s7, $0x1;
	s7 =	sadd.s32 s21, s5  }
0xa3: {  	[timem:s9], [sflag:s22] =	dma.local [hbm:s7], s20  }
0xa4: {  	_ =	swait.ge [sflag:s22], s20  }
0xa5: {  	s6 =	ssub.s32 $0x0, s20;
	[sflag:s22] =	ssyncset.done $0x0  }
0xa6: {  	[sflag:s22] =	ssyncadd.s32 s6;
	_ =	sdelay $0x1  }
0xa7: {  	s23 =	simm.s32 $0x1B8B  }
0xa8: {  	_ =	swait.ge [sflag:s23], $0x1  }
0xa9: {  	[sflag:s23] =	ssyncset.done $0x0  }
0xaa: {  	s25 =	simm.s32 $0x1B8E;
	s24 =	sld [smem:$0x3FFE];
	[sflag:s23] =	ssyncadd.s32 $0xFFFFFFFF  }
0xab: {  	s26 =	simm.s32 $execute0_lowered;
	[smem:$0x3FD2] =	sst s25  }
0xac: {  	s7 =	sshll.u32 s26, $0x1;
	_ =	strace $0x80000046;
	[dreg:$0x1] =	wrdreg $0xFFFFFFFF  }
0xad: {  	s28 =	simm.s32 $_size_execute0_lowered;
	s5 =	sadd.s32 s5, s7;
	[dreg:$0x0] =	wrdreg $0x0  }
0xae: {  	s7 =	sshll.u32 s28, $0x1;
	[dreg:$0x2] =	wrdreg s5  }
0xaf: {  	[dreg:$0x3] =	wrdreg s7  }
0xb0: {  	[dreg:$0x4] =	wrdreg $0xC0  }
0xb1: {  	_ =	task [dreg:s9], $0x5FFFF  }
0xb2: {  	[dreg:$0x1] =	wrdreg $0xFFFFFFFF  }
0xb3: {  	[dreg:$0x0] =	wrdreg $0x60  }
0xb4: {  	[dreg:$0x2] =	wrdreg s17  }
0xb5: {  	[dreg:$0x3] =	wrdreg s24  }
0xb6: {  	[dreg:$0x4] =	wrdreg s18  }
0xb7: {  	[dreg:$0x5] =	wrdreg s16  }
0xb8: {  	[dreg:$0x6] =	wrdreg $0x9  }
0xb9: {  	_ =	task.clear_ibuf [dreg:s9], $0x7FFFF;
	_ =	strace $0x90000046  }
0xba: {  	s29 =	simm.s32 $0x9;
	_ =	strace $0x80000048  }
0xbb: {  	_ =	swait.ge [sflag:s29], $0x1  }
0xbc: {  	[sflag:s29] =	ssyncadd.s32 $0xFFFFFFFF  }
0xbd: {  	_ =	strace $0x90000048  }
0xbe: {  	_ =	sfence  }
0xbf: {  	s30 =	sld [smem:$0x0];
	_ =	sdelay $0x2  }
0xc0: {  	s31 =	sshll.u32 s1, $0xD;
	s1 =	sshrl.u32 s1, $0x2  }
0xc1: {  	s3 =	sand.u32 $0x4000, s31;
	s1 =	sadd.s32 s1, s30  }
0xc2: {  	s0 =	sor.u32 s3, s0;
	s1 =	sshll.u32 s1, $0x11  }
0xc3: {  	s0 =	sor.u32 s1, s0  }
0xc4: {  	s0 =	sadd.s32 $0x8F2B, s0  }
0xc5: {  	[sflag:s0] =	ssyncadd.remote.s32 $0x1  }
0xc6: {  	_ =	sfence.sel $0xFFFF  }
0xc7: {  	[dreg:$0x0] =	wrdreg $0xFFFFFFFF;
	(pc) =	sbr.abs _section_cstart, $3  }
0xc8: {  	[dreg:$0x1] =	wrdreg $0xFFFFFFFF  }
0xc9: {  	_ =	task.clear_ibuf [dreg:s9], $0x2FFFF;
	_ =	strace $0x9FFFFFFF  }
0xca: {  	(tm) =	ssettm $0x7FFFFFFF  }
0xcb: {  	_ =	shalt  }
tec
execute0_lowered:
.L_overlay_start_1:
0x0: {  	(tag) =	ssettag $0x1  }
0x1: {  	s4 =	rddreg [dreg:$0x0]  }
0x2: {  	s6 =	rddreg [dreg:$0x1];
	s1 =	srdreg.scid  }
0x3: {  	s8 =	rddreg [dreg:$0x2];
	s0 =	stileid.u32;
	s10 =	sand.u32 $0x1, s1  }
0x4: {  	s2 =	rddreg [dreg:$0x3];
	s5 =	sshll.u32 s0, $0x8;
	s7 =	sshll.u32 s10, $0x7  }
0x5: {  	s3 =	simm.s32 $0x0;
	s1 =	rddreg [dreg:$0x4];
	s9 =	sor.u32 s7, s5  }
0x6: {  	[smem:$0x7FF] =	sst s3;
	s7 =	sshrl.u32 s9, $0x3  }
0x7: {  	_ =	strace $0x80000047;
	s5 =	simm.s32 $0x3;
	s4 =	sadd.s32 s4, s7  }
0x8: {  	[tilespmem:s3], [sflag:$0x3] =	stream.linear.gather [hbm4b:s4+s3], $0x80, $0x38;
	[tilespmem:$0x4100] =	vst v63  }
0x9: {  	_ =	swait.ge [sflag:s5], $0x80  }
0xa: {  	s6 =	sadd.s32 s7, s6;
	[sflag:s5] =	ssyncset.done $0x0  }
0xb: {  	s7 =	simm.s32 $0x80;
	s6 =	sadd.s32 $0x1000, s6;
	[sflag:s5] =	ssyncadd.s32 $0xFFFFFF80  }
0xc: {  	[tilespmem:s7], [sflag:$0x3] =	stream.linear.gather [hbm4b:s6+s3], $0x80, $0x38;
	[tilespmem:$0x4100] =	vst v63  }
0xd: {  	_ =	swait.ge [sflag:s5], $0x80  }
0xe: {  	s11 =	ssub.s32 $0x2, s10;
	s9 =	sshll.u32 s9, $0x4;
	[sflag:s5] =	ssyncset.done $0x0  }
0xf: {  	s8 =	sadd.s32 s8, s9;
	s9 =	simm.s32 $0x100;
	[sflag:s5] =	ssyncadd.s32 $0xFFFFFF80  }
0x10: {  	[tilespmem:s9], [sflag:$0x3] =	stream.linear.gather [hbm4b:s8+s3], $0x4000, $0x38;
	[tilespmem:$0x4100] =	vst v63  }
0x11: {  	s12 =	sshrl.u32 s11, $0x1;
	_ =	swait.ge [sflag:s5], $0x4000  }
0x12: {  	s11 =	ssub.s32 s11, s12;
	[sflag:s5] =	ssyncset.done $0x0  }
0x13: {  	s12 =	smax.u32 s11, $0x1;
	[sflag:s5] =	ssyncadd.s32 $0xFFFFC000  }
0x14: {  	[hbm4b:s2+s7] =	stream.indirect.scatter [tilespmem:s9], [sflag:$0x1], $0x80, s3, s7, $0xb8;
	[tilespmem:$0x4100] =	vst v63  }
0x15: {  	s10 =	simm.s32 $0x1;
	p0 =	sne.s32 s12, $0x1  }
0x16: {  	[hbm4b:s2+s7] =	stream.indirect.scatter [tilespmem:s9], [sflag:$0x2], $0x80, s7, s7, $0xb8;
	[tilespmem:$0x4100] =	vst v63  }
.Ltmp0:
0x17: {  	_ =	swait.ge [sflag:s10], $0x4000;
	(pc) =	sbr.rel @!p0 .LBB2_2-.Ltmp0, $4  }
0x18: {  	[sflag:s10] =	ssyncset.done $0x0  }
0x19: {  	s11 =	simm.s32 $0x2;
	[sflag:s10] =	ssyncadd.s32 $0xFFFFC000  }
0x1a: {  	_ =	swait.ge [sflag:s11], $0x4000  }
0x1b: {  	s12 =	sadd.s32 $0xFFFFFFFF, s12;
	[sflag:s11] =	ssyncset.done $0x0  }
.LBB2_1:
0x1c: {  	p0 =	sne.s32 s12, $0x1;
	s12 =	sadd.s32 $0xFFFFFFFF, s12;
	[sflag:s11] =	ssyncadd.s32 $0xFFFFC000  }
0x1d: {  	[tilespmem:s3], [sflag:$0x3] =	stream.linear.gather [hbm4b:s4+s3], $0x80, $0x38;
	[tilespmem:$0x4100] =	vst v63  }
0x1e: {  	_ =	swait.ge [sflag:s5], $0x80  }
0x1f: {  	[sflag:s5] =	ssyncset.done $0x0  }
0x20: {  	[sflag:s5] =	ssyncadd.s32 $0xFFFFFF80  }
0x21: {  	[tilespmem:s7], [sflag:$0x3] =	stream.linear.gather [hbm4b:s6+s3], $0x80, $0x38;
	[tilespmem:$0x4100] =	vst v63  }
0x22: {  	_ =	swait.ge [sflag:s5], $0x80  }
0x23: {  	[sflag:s5] =	ssyncset.done $0x0  }
0x24: {  	[sflag:s5] =	ssyncadd.s32 $0xFFFFFF80  }
0x25: {  	[tilespmem:s9], [sflag:$0x3] =	stream.linear.gather [hbm4b:s8+s3], $0x4000, $0x38;
	[tilespmem:$0x4100] =	vst v63  }
0x26: {  	_ =	swait.ge [sflag:s5], $0x4000  }
0x27: {  	[sflag:s5] =	ssyncset.done $0x0  }
0x28: {  	[sflag:s5] =	ssyncadd.s32 $0xFFFFC000  }
0x29: {  	[hbm4b:s2+s7] =	stream.indirect.scatter [tilespmem:s9], [sflag:$0x1], $0x80, s3, s7, $0xb8;
	[tilespmem:$0x4100] =	vst v63  }
0x2a: {  	_ = 	snop  }
0x2b: {  	[hbm4b:s2+s7] =	stream.indirect.scatter [tilespmem:s9], [sflag:$0x2], $0x80, s7, s7, $0xb8;
	[tilespmem:$0x4100] =	vst v63  }
.Ltmp1:
0x2c: {  	_ =	swait.ge [sflag:s10], $0x4000;
	(pc) =	sbr.rel @p0 .LBB2_1-.Ltmp1, $4  }
0x2d: {  	[sflag:s10] =	ssyncset.done $0x0  }
0x2e: {  	[sflag:s10] =	ssyncadd.s32 $0xFFFFC000  }
0x2f: {  	_ =	swait.ge [sflag:s11], $0x4000  }
0x30: {  	[sflag:s11] =	ssyncset.done $0x0  }
.LBB2_2:
0x31: {  	[sflag:s11] =	ssyncadd.s32 $0xFFFFC000  }
0x32: {  	_ =	sfence.sel $0x180000  }
0x33: {  	[bflag:$0x0] =	sbarrier.arrive $0xFFFF  }
0x34: {  	p0 =	sne.s32 s0, $0x0;
	_ =	strace $0x90000047  }
0x35: {  	s0 =	sadd.s32 @!p0 $0x100000, s1;
	[bflag:$0x2] =	sbarrier.arrive $0xFFFF  }
0x36: {  	[sflag:s0] =	ssyncadd.tile.s32 @!p0 $0x1;
	_ =	shalt  }
.Lfunc_end2:
_tile_overlayer_lowered:
.L_overlay_start_2:
0x37: {  	(tag) =	ssettag $0x2  }
0x38: {  	s0 =	rddreg [dreg:$0x0];
	s2 =	stileid.u32  }
0x39: {  	s1 =	rddreg [dreg:$0x1];
	p0 =	sne.s32 s2, $0x0  }
0x3a: {  	s3 =	rddreg [dreg:$0x2];
	[bflag:$0x3] =	sbarrier.arrive $0xFFFF;
	s2 =	simm.s32 @!p0 $0x1C03  }
0x3b: {  	[timem:s3], [sflag:s2] =	dma.local @!p0 [hbm:s0], s1  }
0x3c: {  	s0 =	simm.s32 @!p0 $0x3  }
0x3d: {  	_ =	swait.ge @!p0 [sflag:s0], s1  }
0x3e: {  	s1 =	ssub.s32 @!p0 $0x0, s1;
	[sflag:s0] =	ssyncset.done @!p0 $0x0  }
0x3f: {  	[sflag:s0] =	ssyncadd.s32 @!p0 s1  }
0x40: {  	[bflag:$0x3] =	sbarrier.arrive $0xFFFF  }
0x41: {  	_ =	shalt  }

</sc_bundles>
